<compile_context>
chip_gen: v7x
topology: tpu7x:2x2x1
jax: 0.10.2.dev20260603
libtpu: 0.0.44.dev20260713+nightly
codegen_flags: <defaults>
</compile_context>

<pallas_src>
import functools

import jax
import jax.numpy as jnp
from jax import lax
from jax.experimental import pallas as pl
from jax.experimental.pallas import tpu as pltpu
from jax.experimental.pallas import tpu_sc as plsc

N = 10000
E = 320000
D = 128

NP = 10240
NW = 32
EPW = E // NW
CW = 128
NF = EPW // CW
TAIL = EPW - NF * CW
HCF = NF // 2
RPT = NP // 16
BLK = 2048
GRID = NP // BLK

_mesh = plsc.VectorSubcoreMesh(core_axis_name="c", subcore_axis_name="s")


@functools.partial(
    pl.kernel,
    mesh=_mesh,
    out_type=jax.ShapeDtypeStruct((2 * NP,), jnp.float32),
    scratch_types=[
        pltpu.VMEM((EPW,), jnp.int32),
        pltpu.VMEM((NF + 1, CW), jnp.int32),
        pltpu.VMEM((CW,), jnp.float32),
        pltpu.VMEM((RPT,), jnp.float32),
        pltpu.VMEM_SHARED((NP,), jnp.float32),
        pltpu.SemaphoreType.DMA,
    ],
)
def _deg_kernel(edges_hbm, ones_hbm, zeros_hbm, cnt_hbm, idx1_v, idx_v,
                ones_v, buf_v, acc_sh, sem):
    cid = lax.axis_index("c")
    sid = lax.axis_index("s")
    wid = cid * 16 + sid
    row0 = sid * RPT

    pltpu.sync_copy(edges_hbm.at[pl.ds(E + wid * EPW, EPW)], idx1_v)
    pltpu.sync_copy(ones_hbm, ones_v)
    pltpu.sync_copy(zeros_hbm, buf_v)
    pltpu.sync_copy(buf_v, acc_sh.at[pl.ds(row0, RPT)])

    @pl.loop(0, NF)
    def _(j):
        @pl.loop(0, CW // 16)
        def _(k):
            idx_v[j, pl.ds(k * 16, 16)] = idx1_v[pl.ds(j * CW + k * 16, 16)]

    idx_v[NF, pl.ds(0, 16)] = idx1_v[pl.ds(NF * CW, 16)]

    @pl.loop(1, CW // 16)
    def _(k):
        idx_v[NF, pl.ds(k * 16, 16)] = N + k * 16 + lax.iota(jnp.int32, 16)

    plsc.subcore_barrier()

    @pl.loop(0, NF + 1)
    def _(j):
        pltpu.async_copy(ones_v, acc_sh.at[idx_v.at[j]], sem, add=True)

    @pl.loop(0, NF + 1)
    def _(j):
        pltpu.make_async_copy(ones_v, acc_sh.at[idx_v.at[0]], sem).wait()

    plsc.subcore_barrier()
    pltpu.sync_copy(acc_sh.at[pl.ds(row0, RPT)], buf_v)
    pltpu.sync_copy(buf_v, cnt_hbm.at[pl.ds(cid * NP + row0, RPT)])


def _k2a_body(x_ref, wct_ref, h_ref):
    h_ref[...] = jnp.dot(x_ref[...], wct_ref[...],
                         preferred_element_type=jnp.float32)


_k2a = pl.pallas_call(
    _k2a_body,
    grid=(GRID,),
    in_specs=[
        pl.BlockSpec((BLK, D), lambda i: (i, 0)),
        pl.BlockSpec((D, D), lambda i: (0, 0)),
    ],
    out_specs=pl.BlockSpec((BLK, D), lambda i: (i, 0)),
    out_shape=jax.ShapeDtypeStruct((NP, D), jnp.float32),
)


def _k2b_body(h_ref, c0_ref, c1_ref, hn_ref):
    deg = 1.0 + c0_ref[...] + c1_ref[...]
    dis = lax.rsqrt(deg).reshape(BLK, 1)
    hn_ref[...] = h_ref[...] * dis


_k2b = pl.pallas_call(
    _k2b_body,
    grid=(GRID,),
    in_specs=[
        pl.BlockSpec((BLK, D), lambda i: (i, 0)),
        pl.BlockSpec((BLK,), lambda i: (i,)),
        pl.BlockSpec((BLK,), lambda i: (i,)),
    ],
    out_specs=pl.BlockSpec((BLK, D), lambda i: (i, 0)),
    out_shape=jax.ShapeDtypeStruct((NP, D), jnp.float32),
)


@functools.partial(
    pl.kernel,
    mesh=_mesh,
    out_type=[
        jax.ShapeDtypeStruct((NP, D), jnp.float32),
        jax.ShapeDtypeStruct((NP, D), jnp.float32),
    ],
    scratch_types=[
        pltpu.VMEM((HCF * CW,), jnp.int32),
        pltpu.VMEM((HCF * CW,), jnp.int32),
        pltpu.VMEM((2, CW), jnp.int32),
        pltpu.VMEM((CW,), jnp.int32),
        pltpu.VMEM((CW, D), jnp.float32),
        pltpu.VMEM((CW, D), jnp.float32),
        pltpu.VMEM_SHARED((NP, D), jnp.float32),
        pltpu.SemaphoreType.DMA,
        pltpu.SemaphoreType.DMA,
    ],
)
def _scatter_kernel(edges_hbm, hn_hbm, z2_hbm, p0_hbm, p1_hbm, sidx, didx,
                    dstage, gidxt, rows0, rows1, acc_sh, sem0, sem1):
    cid = lax.axis_index("c")
    sid = lax.axis_index("s")
    wid = cid * 16 + sid
    row0 = sid * RPT
    base = wid * EPW

    pltpu.sync_copy(z2_hbm, rows0)

    @pl.loop(0, RPT // CW)
    def _(k):
        pltpu.sync_copy(rows0, acc_sh.at[pl.ds(row0 + k * CW, CW)])

    plsc.subcore_barrier()

    def _stage(j, slot):
        @pl.loop(0, CW // 16)
        def _(k):
            dstage[slot, pl.ds(k * 16, 16)] = didx[pl.ds(j * CW + k * 16, 16)]

    def _gidx(j):
        return sidx.at[pl.ds(j * CW, CW)]

    @pl.loop(0, 2)
    def _(h):
        off = base + h * (HCF * CW)
        pltpu.sync_copy(edges_hbm.at[pl.ds(off, HCF * CW)], sidx)
        pltpu.sync_copy(edges_hbm.at[pl.ds(E + off, HCF * CW)], didx)

        _stage(0, 0)
        pltpu.async_copy(hn_hbm.at[_gidx(0)], rows0, sem0).wait()

        @pl.loop(0, HCF - 2, step=2)
        def _(j):
            cp1 = pltpu.async_copy(hn_hbm.at[_gidx(j + 1)], rows1, sem1)
            _stage(j + 1, 1)
            pltpu.sync_copy(rows0, acc_sh.at[dstage.at[0]], add=True)
            cp1.wait()
            cp0 = pltpu.async_copy(hn_hbm.at[_gidx(j + 2)], rows0, sem0)
            _stage(j + 2, 0)
            pltpu.sync_copy(rows1, acc_sh.at[dstage.at[1]], add=True)
            cp0.wait()

        _stage(HCF - 1, 0)
        pltpu.sync_copy(rows0, acc_sh.at[dstage.at[0]], add=True)

    toff = base + NF * CW
    pltpu.sync_copy(edges_hbm.at[pl.ds(toff, TAIL)], gidxt.at[pl.ds(0, TAIL)])
    pltpu.sync_copy(edges_hbm.at[pl.ds(E + toff, TAIL)],
                    didx.at[pl.ds(0, TAIL)])
    dstage[0, pl.ds(0, 16)] = didx[pl.ds(0, 16)]

    @pl.loop(1, CW // 16)
    def _(k):
        gidxt[pl.ds(k * 16, 16)] = sidx[pl.ds(k * 16, 16)]
        dstage[0, pl.ds(k * 16, 16)] = (
            N + k * 16 + lax.iota(jnp.int32, 16))

    pltpu.sync_copy(hn_hbm.at[gidxt], rows0)
    pltpu.sync_copy(rows0, acc_sh.at[dstage.at[0]], add=True)

    plsc.subcore_barrier()

    @pl.loop(0, RPT // CW)
    def _(k):
        sl = pl.ds(row0 + k * CW, CW)
        pltpu.sync_copy(acc_sh.at[sl], rows0)

        @pl.when(cid == 0)
        def _():
            pltpu.sync_copy(rows0, p0_hbm.at[sl])

        @pl.when(cid == 1)
        def _():
            pltpu.sync_copy(rows0, p1_hbm.at[sl])


def _k4_body(p0_ref, p1_ref, hn_ref, c0_ref, c1_ref, w1t_ref, b1_ref,
             w2t_ref, b2_ref, y_ref, g_ref):
    s = p0_ref[...] + p1_ref[...] + hn_ref[...]
    deg = 1.0 + c0_ref[...] + c1_ref[...]
    dis = lax.rsqrt(deg).reshape(BLK, 1)
    g = jnp.maximum(dis * s, 0.0)
    h1 = jnp.maximum(
        jnp.dot(g, w1t_ref[...], preferred_element_type=jnp.float32)
        + b1_ref[...], 0.0)
    y = (jnp.dot(h1, w2t_ref[...], preferred_element_type=jnp.float32)
         + b2_ref[...])
    y_ref[...] = y.reshape(BLK, 1, D)
    g_ref[...] = g


_k4 = pl.pallas_call(
    _k4_body,
    grid=(GRID,),
    in_specs=[
        pl.BlockSpec((BLK, D), lambda i: (i, 0)),
        pl.BlockSpec((BLK, D), lambda i: (i, 0)),
        pl.BlockSpec((BLK, D), lambda i: (i, 0)),
        pl.BlockSpec((BLK,), lambda i: (i,)),
        pl.BlockSpec((BLK,), lambda i: (i,)),
        pl.BlockSpec((D, D), lambda i: (0, 0)),
        pl.BlockSpec((1, D), lambda i: (0, 0)),
        pl.BlockSpec((D, D), lambda i: (0, 0)),
        pl.BlockSpec((1, D), lambda i: (0, 0)),
    ],
    out_specs=[
        pl.BlockSpec((BLK, 1, D), lambda i: (i, 0, 0)),
        pl.BlockSpec((BLK, D), lambda i: (i, 0)),
    ],
    out_shape=[
        jax.ShapeDtypeStruct((N, 1, D), jnp.float32),
        jax.ShapeDtypeStruct((N, D), jnp.float32),
    ],
)


def kernel(x, edge_index, Wc, W1, b1, W2, b2):
    edges = edge_index.reshape(2 * E)

    ones1 = jnp.ones((CW,), jnp.float32)
    zeros1 = jnp.zeros((RPT,), jnp.float32)
    zeros2 = jnp.zeros((CW, D), jnp.float32)

    counts = _deg_kernel(edges, ones1, zeros1)
    c0 = counts[:NP]
    c1 = counts[NP:]

    h = _k2a(x, Wc.T)
    hn = _k2b(h, c0, c1)

    p0, p1 = _scatter_kernel(edges, hn, zeros2)

    y, g = _k4(p0, p1, hn, c0, c1, W1.T, b1[None, :], W2.T, b2[None, :])
    return (y, g)

# --- scband reference (transcript-rebuilt; emitter-appended) ---
"""Pipeline reference for scband-gcndecoder-25632364822536 (READ-ONLY COPY).

The authoritative reference and input builder live on the scoring server;
editing this copy changes nothing except your own understanding.
"""

import jax, jax.numpy as jnp
import numpy as np

N = 10000
E = 320000
D = 128
H = 128
O = 128
HORIZON = 1


def setup_inputs(seed: int = 0) -> dict:
    key = jax.random.key(seed)
    ks = jax.random.split(key, 6)
    x = jax.random.normal(ks[0], (N, D), dtype=jnp.float32)
    edge_index = jax.random.randint(ks[1], (2, E), 0, N, dtype=jnp.int32)
    # GCNConv linear weight (bias=False), PyG convention: h = x @ W.T, W shape [out, in]
    Wc = jax.random.normal(ks[2], (H, D), dtype=jnp.float32) * (1.0 / np.sqrt(D))
    # readout: Linear(H, H) -> ReLU -> Linear(H, O*HORIZON) -> Unflatten(-1, (HORIZON, O))
    W1 = jax.random.normal(ks[3], (H, H), dtype=jnp.float32) * (1.0 / np.sqrt(H))
    b1 = jnp.zeros((H,), dtype=jnp.float32)
    W2 = jax.random.normal(ks[4], (O * HORIZON, H), dtype=jnp.float32) * (1.0 / np.sqrt(H))
    b2 = jnp.zeros((O * HORIZON,), dtype=jnp.float32)
    return {"x": x, "edge_index": edge_index, "Wc": Wc, "W1": W1, "b1": b1, "W2": W2, "b2": b2}


def _gcn_conv(x, edge_index, Wc):
    # PyG GCNConv with add_self_loops=True, normalize=True, bias=False
    src = edge_index[0]
    dst = edge_index[1]
    loop = jnp.arange(N, dtype=src.dtype)
    src = jnp.concatenate([src, loop])
    dst = jnp.concatenate([dst, loop])
    ew = jnp.ones(src.shape[0], dtype=x.dtype)
    # symmetric normalization: deg computed over dst (col)
    deg = jax.ops.segment_sum(ew, dst, num_segments=N)
    deg_inv_sqrt = jnp.where(deg > 0, jax.lax.rsqrt(jnp.maximum(deg, 1e-12)), 0.0)
    norm = deg_inv_sqrt[src] * ew * deg_inv_sqrt[dst]
    h = x @ Wc.T
    msg = h[src] * norm[:, None]
    out = jax.ops.segment_sum(msg, dst, num_segments=N)
    return out


def reference(x, edge_index, Wc, W1, b1, W2, b2):
    # single GCN layer + relu (dropout inactive in eval)
    g = jax.nn.relu(_gcn_conv(x, edge_index, Wc))
    # readout MLP
    h1 = jax.nn.relu(g @ W1.T + b1)
    y = h1 @ W2.T + b2
    y = y.reshape(y.shape[0], HORIZON, O)
    return (y, g)

if __name__ == "__main__":
    import jax
    _d = setup_inputs()
    print(jax.jit(kernel)(*tuple(_d.values())))

</pallas_src>

<mosaic_0001>
#map = affine_map<(d0, d1) -> (0)>
module attributes {stable_mosaic.version = 14 : i64} {
  func.func @_deg_kernel(%arg0: i32, %arg1: i32, %arg2: memref<640000xi32, #tpu.memory_space<hbm>>, %arg3: memref<128xf32, #tpu.memory_space<hbm>>, %arg4: memref<640xf32, #tpu.memory_space<hbm>>, %arg5: memref<20480xf32, #tpu.memory_space<hbm>>, %arg6: memref<10000xi32, #tpu.memory_space<vmem>>, %arg7: memref<79x128xi32, #tpu.memory_space<vmem>>, %arg8: memref<128xf32, #tpu.memory_space<vmem>>, %arg9: memref<640xf32, #tpu.memory_space<vmem>>, %arg10: memref<10240xf32, #tpu.memory_space<vmem_shared>>, %arg11: memref<!tpu.dma_semaphore, #tpu.memory_space<semaphore_mem>>) attributes {dimension_semantics = [#tpu.dimension_semantics<core_parallel>, #tpu.dimension_semantics<subcore_parallel>], iteration_bounds = array<i64: 2, 16>, scalar_prefetch = 0 : i64, scratch_operands = 6 : i64, tpu.core_type = #tpu.core_type<sc_vector_subcore>, window_params = [{transform_indices = #map}, {transform_indices = #map}, {transform_indices = #map}, {transform_indices = #map}]} {
    %mul3A = arith.constant 16 : i32
    %mul3A_0 = arith.muli %arg0, %mul3A : i32
    %add3A = arith.addi %mul3A_0, %arg1 : i32
    %mul3A_1 = arith.constant 640 : i32
    %mul3A_2 = arith.muli %arg1, %mul3A_1 : i32
    %mul3A_3 = arith.constant 10000 : i32
    %mul3A_4 = arith.muli %add3A, %mul3A_3 : i32
    %add3A_5 = arith.constant 320000 : i32
    %add3A_6 = arith.addi %add3A_5, %mul3A_4 : i32
    "tpu.region"() ({
      %run_scoped3A = tpu.sem_alloc : memref<!tpu.dma_semaphore, #tpu.memory_space<semaphore_mem>>
      %dma_start3A = tpu.memref_slice %arg2[%add3A_6] : memref<640000xi32, #tpu.memory_space<hbm>> -> memref<10000xi32, #tpu.memory_space<hbm>>
      %dma_start3A_37 = tpu.memref_slice %arg2[%add3A_6] : memref<640000xi32, #tpu.memory_space<hbm>> -> memref<10000xi32, #tpu.memory_space<hbm>>
      tpu.enqueue_dma source(%dma_start3A_37 : memref<10000xi32, #tpu.memory_space<hbm>>) target(%arg6 : memref<10000xi32, #tpu.memory_space<vmem>>) target_semaphore(%run_scoped3A : memref<!tpu.dma_semaphore, #tpu.memory_space<semaphore_mem>>)
      %dma_wait3A = tpu.memref_slice %arg2[%add3A_6] : memref<640000xi32, #tpu.memory_space<hbm>> -> memref<10000xi32, #tpu.memory_space<hbm>>
      %dma_wait3A_38 = tpu.memref_slice %arg2[%add3A_6] : memref<640000xi32, #tpu.memory_space<hbm>> -> memref<10000xi32, #tpu.memory_space<hbm>>
      tpu.wait_dma2 semaphore(%run_scoped3A : memref<!tpu.dma_semaphore, #tpu.memory_space<semaphore_mem>>) src(%dma_wait3A_38 : memref<10000xi32, #tpu.memory_space<hbm>>) dst(%arg6 : memref<10000xi32, #tpu.memory_space<vmem>>)
      tpu.yield
    }) : () -> ()
    "tpu.region"() ({
      %run_scoped3A = tpu.sem_alloc : memref<!tpu.dma_semaphore, #tpu.memory_space<semaphore_mem>>
      tpu.enqueue_dma source(%arg3 : memref<128xf32, #tpu.memory_space<hbm>>) target(%arg8 : memref<128xf32, #tpu.memory_space<vmem>>) target_semaphore(%run_scoped3A : memref<!tpu.dma_semaphore, #tpu.memory_space<semaphore_mem>>)
      tpu.wait_dma2 semaphore(%run_scoped3A : memref<!tpu.dma_semaphore, #tpu.memory_space<semaphore_mem>>) src(%arg3 : memref<128xf32, #tpu.memory_space<hbm>>) dst(%arg8 : memref<128xf32, #tpu.memory_space<vmem>>)
      tpu.yield
    }) : () -> ()
    "tpu.region"() ({
      %run_scoped3A = tpu.sem_alloc : memref<!tpu.dma_semaphore, #tpu.memory_space<semaphore_mem>>
      tpu.enqueue_dma source(%arg4 : memref<640xf32, #tpu.memory_space<hbm>>) target(%arg9 : memref<640xf32, #tpu.memory_space<vmem>>) target_semaphore(%run_scoped3A : memref<!tpu.dma_semaphore, #tpu.memory_space<semaphore_mem>>)
      tpu.wait_dma2 semaphore(%run_scoped3A : memref<!tpu.dma_semaphore, #tpu.memory_space<semaphore_mem>>) src(%arg4 : memref<640xf32, #tpu.memory_space<hbm>>) dst(%arg9 : memref<640xf32, #tpu.memory_space<vmem>>)
      tpu.yield
    }) : () -> ()
    "tpu.region"() ({
      %run_scoped3A = tpu.sem_alloc : memref<!tpu.dma_semaphore, #tpu.memory_space<semaphore_mem>>
      %dma_start3A = tpu.memref_slice %arg10[%mul3A_2] : memref<10240xf32, #tpu.memory_space<vmem_shared>> -> memref<640xf32, #tpu.memory_space<vmem_shared>>
      %dma_start3A_37 = tpu.memref_slice %arg10[%mul3A_2] : memref<10240xf32, #tpu.memory_space<vmem_shared>> -> memref<640xf32, #tpu.memory_space<vmem_shared>>
      tpu.enqueue_dma source(%arg9 : memref<640xf32, #tpu.memory_space<vmem>>) target(%dma_start3A_37 : memref<640xf32, #tpu.memory_space<vmem_shared>>) target_semaphore(%run_scoped3A : memref<!tpu.dma_semaphore, #tpu.memory_space<semaphore_mem>>)
      %dma_wait3A = tpu.memref_slice %arg10[%mul3A_2] : memref<10240xf32, #tpu.memory_space<vmem_shared>> -> memref<640xf32, #tpu.memory_space<vmem_shared>>
      %dma_wait3A_38 = tpu.memref_slice %arg10[%mul3A_2] : memref<10240xf32, #tpu.memory_space<vmem_shared>> -> memref<640xf32, #tpu.memory_space<vmem_shared>>
      tpu.wait_dma2 semaphore(%run_scoped3A : memref<!tpu.dma_semaphore, #tpu.memory_space<semaphore_mem>>) src(%arg9 : memref<640xf32, #tpu.memory_space<vmem>>) dst(%dma_wait3A_38 : memref<640xf32, #tpu.memory_space<vmem_shared>>)
      tpu.yield
    }) : () -> ()
    %scan3A = arith.constant 0 : i32
    %scan3A_7 = arith.constant 78 : i32
    %scan3A_8 = arith.addi %scan3A, %scan3A_7 : i32
    %scan3A_9 = arith.constant 1 : i32
    scf.for %scan3A_37 = %scan3A to %scan3A_8 step %scan3A_9  : i32 {
      %mul3A_38 = arith.constant 1 : i32
      %mul3A_39 = arith.muli %scan3A_37, %mul3A_38 : i32
      %add3A_40 = arith.constant 0 : i32
      %add3A_41 = arith.addi %add3A_40, %mul3A_39 : i32
      %scan3A_42 = arith.constant 0 : i32
      %scan3A_43 = arith.constant 8 : i32
      %scan3A_44 = arith.addi %scan3A_42, %scan3A_43 : i32
      %scan3A_45 = arith.constant 1 : i32
      scf.for %scan3A_47 = %scan3A_42 to %scan3A_44 step %scan3A_45  : i32 {
        %mul3A_48 = arith.constant 1 : i32
        %mul3A_49 = arith.muli %scan3A_47, %mul3A_48 : i32
        %add3A_50 = arith.constant 0 : i32
        %add3A_51 = arith.addi %add3A_50, %mul3A_49 : i32
        %mul3A_52 = arith.constant 128 : i32
        %mul3A_53 = arith.muli %add3A_41, %mul3A_52 : i32
        %mul3A_54 = arith.constant 16 : i32
        %mul3A_55 = arith.muli %add3A_51, %mul3A_54 : i32
        %add3A_56 = arith.addi %mul3A_53, %mul3A_55 : i32
        %get3A_57 = arith.index_cast %add3A_56 : i32 to index
        %get3A_58 = tpu.vector_load %arg6[%get3A_57] {strides = array<i32>} : memref<10000xi32, #tpu.memory_space<vmem>>, vector<16xi32>,
        %get3A_59 = vector.shape_cast %get3A_58 : vector<16xi32> to vector<16xi32>
        %mul3A_60 = arith.constant 16 : i32
        %mul3A_61 = arith.muli %add3A_51, %mul3A_60 : i32
        %swap3A_62 = arith.index_cast %add3A_41 : i32 to index
        %swap3A_63 = arith.index_cast %mul3A_61 : i32 to index
        %swap3A_64 = tpu.vector_load %arg7[%swap3A_62, %swap3A_63] {strides = array<i32>} : memref<79x128xi32, #tpu.memory_space<vmem>>, vector<1x16xi32>,
        %swap3A_65 = vector.shape_cast %swap3A_64 : vector<1x16xi32> to vector<16xi32>
        %swap3A_66 = vector.shape_cast %get3A_59 : vector<16xi32> to vector<1x16xi32>
        tpu.vector_store %arg7[%swap3A_62, %swap3A_63], %swap3A_66 {strides = array<i32>} : memref<79x128xi32, #tpu.memory_space<vmem>>, vector<1x16xi32>,
      }
      %scan3A_46 = arith.constant 8 : i32
    }
    %scan3A_10 = arith.constant 78 : i32
    %get3A = arith.constant 9984 : index
    %get3A_11 = tpu.vector_load %arg6[%get3A] {strides = array<i32>} : memref<10000xi32, #tpu.memory_space<vmem>>, vector<16xi32>,
    %get3A_12 = vector.shape_cast %get3A_11 : vector<16xi32> to vector<16xi32>
    %swap3A = arith.constant 78 : i32
    %swap3A_13 = arith.index_cast %swap3A : i32 to index
    %swap3A_14 = arith.constant 0 : index
    %swap3A_15 = tpu.vector_load %arg7[%swap3A_13, %swap3A_14] {strides = array<i32>} : memref<79x128xi32, #tpu.memory_space<vmem>>, vector<1x16xi32>,
    %swap3A_16 = vector.shape_cast %swap3A_15 : vector<1x16xi32> to vector<16xi32>
    %swap3A_17 = vector.shape_cast %get3A_12 : vector<16xi32> to vector<1x16xi32>
    tpu.vector_store %arg7[%swap3A_13, %swap3A_14], %swap3A_17 {strides = array<i32>} : memref<79x128xi32, #tpu.memory_space<vmem>>, vector<1x16xi32>,
    %scan3A_18 = arith.constant 0 : i32
    %scan3A_19 = arith.constant 7 : i32
    %scan3A_20 = arith.addi %scan3A_18, %scan3A_19 : i32
    %scan3A_21 = arith.constant 1 : i32
    scf.for %scan3A_37 = %scan3A_18 to %scan3A_20 step %scan3A_21  : i32 {
      %mul3A_38 = arith.constant 1 : i32
      %mul3A_39 = arith.muli %scan3A_37, %mul3A_38 : i32
      %add3A_40 = arith.constant 1 : i32
      %add3A_41 = arith.addi %add3A_40, %mul3A_39 : i32
      %mul3A_42 = arith.constant 16 : i32
      %mul3A_43 = arith.muli %add3A_41, %mul3A_42 : i32
      %add3A_44 = arith.constant 10000 : i32
      %add3A_45 = arith.addi %add3A_44, %mul3A_43 : i32
      %iota3A = tpu.iota {dimensions = array<i32: 0>} : vector<16xi32>
      %add3A_46 = vector.broadcast %add3A_45 : i32 to vector<16xi32>
      %add3A_47 = arith.addi %add3A_46, %iota3A : vector<16xi32>
      %mul3A_48 = arith.constant 16 : i32
      %mul3A_49 = arith.muli %add3A_41, %mul3A_48 : i32
      %swap3A_50 = arith.constant 78 : i32
      %swap3A_51 = arith.index_cast %swap3A_50 : i32 to index
      %swap3A_52 = arith.index_cast %mul3A_49 : i32 to index
      %swap3A_53 = tpu.vector_load %arg7[%swap3A_51, %swap3A_52] {strides = array<i32>} : memref<79x128xi32, #tpu.memory_space<vmem>>, vector<1x16xi32>,
      %swap3A_54 = vector.shape_cast %swap3A_53 : vector<1x16xi32> to vector<16xi32>
      %swap3A_55 = vector.shape_cast %add3A_47 : vector<16xi32> to vector<1x16xi32>
      tpu.vector_store %arg7[%swap3A_51, %swap3A_52], %swap3A_55 {strides = array<i32>} : memref<79x128xi32, #tpu.memory_space<vmem>>, vector<1x16xi32>,
    }
    %scan3A_22 = arith.constant 7 : i32
    %barrier3A = arith.constant 0 : index
    tpu.barrier barrier_id(%barrier3A)
    %scan3A_23 = arith.constant 0 : i32
    %scan3A_24 = arith.constant 79 : i32
    %scan3A_25 = arith.addi %scan3A_23, %scan3A_24 : i32
    %scan3A_26 = arith.constant 1 : i32
    scf.for %scan3A_37 = %scan3A_23 to %scan3A_25 step %scan3A_26  : i32 {
      %mul3A_38 = arith.constant 1 : i32
      %mul3A_39 = arith.muli %scan3A_37, %mul3A_38 : i32
      %add3A_40 = arith.constant 0 : i32
      %add3A_41 = arith.addi %add3A_40, %mul3A_39 : i32
      %dma_start3A = arith.constant 0 : i32
      %dma_start3A_42 = tpu.memref_slice %arg7[%add3A_41, %dma_start3A] : memref<79x128xi32, #tpu.memory_space<vmem>> -> memref<1x128xi32, #tpu.memory_space<vmem>>
      %dma_start3A_43 = tpu.memref_squeeze %dma_start3A_42 : memref<1x128xi32, #tpu.memory_space<vmem>> -> memref<128xi32, #tpu.memory_space<vmem>>
      %dma_start3A_44 = arith.constant 0 : i32
      %dma_start3A_45 = tpu.memref_slice %arg10[%dma_start3A_44] : memref<10240xf32, #tpu.memory_space<vmem_shared>> -> memref<10240xf32, #tpu.memory_space<vmem_shared>>
      tpu.enqueue_indirect_dma source(%arg8 : memref<128xf32, #tpu.memory_space<vmem>>) target(%dma_start3A_45 : memref<10240xf32, #tpu.memory_space<vmem_shared>>) offsets(%dma_start3A_43 : memref<128xi32, #tpu.memory_space<vmem>>) semaphore(%arg11 : memref<!tpu.dma_semaphore, #tpu.memory_space<semaphore_mem>>) {add = true}
    }
    %scan3A_27 = arith.constant 79 : i32
    %scan3A_28 = arith.constant 0 : i32
    %scan3A_29 = arith.constant 79 : i32
    %scan3A_30 = arith.addi %scan3A_28, %scan3A_29 : i32
    %scan3A_31 = arith.constant 1 : i32
    scf.for %scan3A_37 = %scan3A_28 to %scan3A_30 step %scan3A_31  : i32 {
      %mul3A_38 = arith.constant 1 : i32
      %mul3A_39 = arith.muli %scan3A_37, %mul3A_38 : i32
      %add3A_40 = arith.constant 0 : i32
      %add3A_41 = arith.addi %add3A_40, %mul3A_39 : i32
      %dma_wait3A = arith.constant 0 : i32
      %dma_wait3A_42 = arith.constant 0 : i32
      %dma_wait3A_43 = tpu.memref_slice %arg7[%dma_wait3A, %dma_wait3A_42] : memref<79x128xi32, #tpu.memory_space<vmem>> -> memref<1x128xi32, #tpu.memory_space<vmem>>
      %dma_wait3A_44 = tpu.memref_squeeze %dma_wait3A_43 : memref<1x128xi32, #tpu.memory_space<vmem>> -> memref<128xi32, #tpu.memory_space<vmem>>
      %dma_wait3A_45 = arith.constant 0 : i32
      %dma_wait3A_46 = tpu.memref_slice %arg10[%dma_wait3A_45] : memref<10240xf32, #tpu.memory_space<vmem_shared>> -> memref<10240xf32, #tpu.memory_space<vmem_shared>>
      tpu.wait_indirect_dma semaphore(%arg11 : memref<!tpu.dma_semaphore, #tpu.memory_space<semaphore_mem>>) src(%arg8 : memref<128xf32, #tpu.memory_space<vmem>>) dst(%dma_wait3A_46 : memref<10240xf32, #tpu.memory_space<vmem_shared>>)
    }
    %scan3A_32 = arith.constant 79 : i32
    %barrier3A_33 = arith.constant 0 : index
    tpu.barrier barrier_id(%barrier3A_33)
    "tpu.region"() ({
      %run_scoped3A = tpu.sem_alloc : memref<!tpu.dma_semaphore, #tpu.memory_space<semaphore_mem>>
      %dma_start3A = tpu.memref_slice %arg10[%mul3A_2] : memref<10240xf32, #tpu.memory_space<vmem_shared>> -> memref<640xf32, #tpu.memory_space<vmem_shared>>
      %dma_start3A_37 = tpu.memref_slice %arg10[%mul3A_2] : memref<10240xf32, #tpu.memory_space<vmem_shared>> -> memref<640xf32, #tpu.memory_space<vmem_shared>>
      tpu.enqueue_dma source(%dma_start3A_37 : memref<640xf32, #tpu.memory_space<vmem_shared>>) target(%arg9 : memref<640xf32, #tpu.memory_space<vmem>>) target_semaphore(%run_scoped3A : memref<!tpu.dma_semaphore, #tpu.memory_space<semaphore_mem>>)
      %dma_wait3A = tpu.memref_slice %arg10[%mul3A_2] : memref<10240xf32, #tpu.memory_space<vmem_shared>> -> memref<640xf32, #tpu.memory_space<vmem_shared>>
      %dma_wait3A_38 = tpu.memref_slice %arg10[%mul3A_2] : memref<10240xf32, #tpu.memory_space<vmem_shared>> -> memref<640xf32, #tpu.memory_space<vmem_shared>>
      tpu.wait_dma2 semaphore(%run_scoped3A : memref<!tpu.dma_semaphore, #tpu.memory_space<semaphore_mem>>) src(%dma_wait3A_38 : memref<640xf32, #tpu.memory_space<vmem_shared>>) dst(%arg9 : memref<640xf32, #tpu.memory_space<vmem>>)
      tpu.yield
    }) : () -> ()
    %mul3A_34 = arith.constant 10240 : i32
    %mul3A_35 = arith.muli %arg0, %mul3A_34 : i32
    %add3A_36 = arith.addi %mul3A_35, %mul3A_2 : i32
    "tpu.region"() ({
      %run_scoped3A = tpu.sem_alloc : memref<!tpu.dma_semaphore, #tpu.memory_space<semaphore_mem>>
      %dma_start3A = tpu.memref_slice %arg5[%add3A_36] : memref<20480xf32, #tpu.memory_space<hbm>> -> memref<640xf32, #tpu.memory_space<hbm>>
      %dma_start3A_37 = tpu.memref_slice %arg5[%add3A_36] : memref<20480xf32, #tpu.memory_space<hbm>> -> memref<640xf32, #tpu.memory_space<hbm>>
      tpu.enqueue_dma source(%arg9 : memref<640xf32, #tpu.memory_space<vmem>>) target(%dma_start3A_37 : memref<640xf32, #tpu.memory_space<hbm>>) target_semaphore(%run_scoped3A : memref<!tpu.dma_semaphore, #tpu.memory_space<semaphore_mem>>)
      %dma_wait3A = tpu.memref_slice %arg5[%add3A_36] : memref<20480xf32, #tpu.memory_space<hbm>> -> memref<640xf32, #tpu.memory_space<hbm>>
      %dma_wait3A_38 = tpu.memref_slice %arg5[%add3A_36] : memref<20480xf32, #tpu.memory_space<hbm>> -> memref<640xf32, #tpu.memory_space<hbm>>
      tpu.wait_dma2 semaphore(%run_scoped3A : memref<!tpu.dma_semaphore, #tpu.memory_space<semaphore_mem>>) src(%arg9 : memref<640xf32, #tpu.memory_space<vmem>>) dst(%dma_wait3A_38 : memref<640xf32, #tpu.memory_space<hbm>>)
      tpu.yield
    }) : () -> ()
    return
  }
}

#map = affine_map<(d0, d1) -> (0)>
#map1 = affine_map<(d0, d1) -> (0, 0)>
module attributes {stable_mosaic.version = 14 : i64} {
  func.func @_scatter_kernel(%arg0: i32, %arg1: i32, %arg2: memref<640000xi32, #tpu.memory_space<hbm>>, %arg3: memref<10240x128xf32, #tpu.memory_space<hbm>>, %arg4: memref<128x128xf32, #tpu.memory_space<hbm>>, %arg5: memref<10240x128xf32, #tpu.memory_space<hbm>>, %arg6: memref<10240x128xf32, #tpu.memory_space<hbm>>, %arg7: memref<4992xi32, #tpu.memory_space<vmem>>, %arg8: memref<4992xi32, #tpu.memory_space<vmem>>, %arg9: memref<2x128xi32, #tpu.memory_space<vmem>>, %arg10: memref<128xi32, #tpu.memory_space<vmem>>, %arg11: memref<128x128xf32, #tpu.memory_space<vmem>>, %arg12: memref<128x128xf32, #tpu.memory_space<vmem>>, %arg13: memref<10240x128xf32, #tpu.memory_space<vmem_shared>>, %arg14: memref<!tpu.dma_semaphore, #tpu.memory_space<semaphore_mem>>, %arg15: memref<!tpu.dma_semaphore, #tpu.memory_space<semaphore_mem>>) attributes {dimension_semantics = [#tpu.dimension_semantics<core_parallel>, #tpu.dimension_semantics<subcore_parallel>], iteration_bounds = array<i64: 2, 16>, scalar_prefetch = 0 : i64, scratch_operands = 9 : i64, tpu.core_type = #tpu.core_type<sc_vector_subcore>, window_params = [{transform_indices = #map}, {transform_indices = #map1}, {transform_indices = #map1}, {transform_indices = #map1}, {transform_indices = #map1}]} {
    %mul3A = arith.constant 16 : i32
    %mul3A_0 = arith.muli %arg0, %mul3A : i32
    %add3A = arith.addi %mul3A_0, %arg1 : i32
    %mul3A_1 = arith.constant 640 : i32
    %mul3A_2 = arith.muli %arg1, %mul3A_1 : i32
    %mul3A_3 = arith.constant 10000 : i32
    %mul3A_4 = arith.muli %add3A, %mul3A_3 : i32
    "tpu.region"() ({
      %run_scoped3A_36 = tpu.sem_alloc : memref<!tpu.dma_semaphore, #tpu.memory_space<semaphore_mem>>
      tpu.enqueue_dma source(%arg4 : memref<128x128xf32, #tpu.memory_space<hbm>>) target(%arg11 : memref<128x128xf32, #tpu.memory_space<vmem>>) target_semaphore(%run_scoped3A_36 : memref<!tpu.dma_semaphore, #tpu.memory_space<semaphore_mem>>)
      tpu.wait_dma2 semaphore(%run_scoped3A_36 : memref<!tpu.dma_semaphore, #tpu.memory_space<semaphore_mem>>) src(%arg4 : memref<128x128xf32, #tpu.memory_space<hbm>>) dst(%arg11 : memref<128x128xf32, #tpu.memory_space<vmem>>)
      tpu.yield
    }) : () -> ()
    %scan3A = arith.constant 0 : i32
    %scan3A_5 = arith.constant 5 : i32
    %scan3A_6 = arith.addi %scan3A, %scan3A_5 : i32
    %scan3A_7 = arith.constant 1 : i32
    scf.for %scan3A_36 = %scan3A to %scan3A_6 step %scan3A_7  : i32 {
      %mul3A_37 = arith.constant 1 : i32
      %mul3A_38 = arith.muli %scan3A_36, %mul3A_37 : i32
      %add3A_39 = arith.constant 0 : i32
      %add3A_40 = arith.addi %add3A_39, %mul3A_38 : i32
      %mul3A_41 = arith.constant 128 : i32
      %mul3A_42 = arith.muli %add3A_40, %mul3A_41 : i32
      %add3A_43 = arith.addi %mul3A_2, %mul3A_42 : i32
      "tpu.region"() ({
        %run_scoped3A_44 = tpu.sem_alloc : memref<!tpu.dma_semaphore, #tpu.memory_space<semaphore_mem>>
        %dma_start3A = arith.constant 0 : i32
        %dma_start3A_45 = tpu.memref_slice %arg13[%add3A_43, %dma_start3A] : memref<10240x128xf32, #tpu.memory_space<vmem_shared>> -> memref<128x128xf32, #tpu.memory_space<vmem_shared>>
        %dma_start3A_46 = arith.constant 0 : i32
        %dma_start3A_47 = tpu.memref_slice %arg13[%add3A_43, %dma_start3A_46] : memref<10240x128xf32, #tpu.memory_space<vmem_shared>> -> memref<128x128xf32, #tpu.memory_space<vmem_shared>>
        tpu.enqueue_dma source(%arg11 : memref<128x128xf32, #tpu.memory_space<vmem>>) target(%dma_start3A_47 : memref<128x128xf32, #tpu.memory_space<vmem_shared>>) target_semaphore(%run_scoped3A_44 : memref<!tpu.dma_semaphore, #tpu.memory_space<semaphore_mem>>)
        %dma_wait3A = arith.constant 0 : i32
        %dma_wait3A_48 = tpu.memref_slice %arg13[%add3A_43, %dma_wait3A] : memref<10240x128xf32, #tpu.memory_space<vmem_shared>> -> memref<128x128xf32, #tpu.memory_space<vmem_shared>>
        %dma_wait3A_49 = arith.constant 0 : i32
        %dma_wait3A_50 = tpu.memref_slice %arg13[%add3A_43, %dma_wait3A_49] : memref<10240x128xf32, #tpu.memory_space<vmem_shared>> -> memref<128x128xf32, #tpu.memory_space<vmem_shared>>
        tpu.wait_dma2 semaphore(%run_scoped3A_44 : memref<!tpu.dma_semaphore, #tpu.memory_space<semaphore_mem>>) src(%arg11 : memref<128x128xf32, #tpu.memory_space<vmem>>) dst(%dma_wait3A_50 : memref<128x128xf32, #tpu.memory_space<vmem_shared>>)
        tpu.yield
      }) : () -> ()
    }
    %scan3A_8 = arith.constant 5 : i32
    %barrier3A = arith.constant 0 : index
    tpu.barrier barrier_id(%barrier3A)
    %scan3A_9 = arith.constant 0 : i32
    %scan3A_10 = arith.constant 2 : i32
    %scan3A_11 = arith.addi %scan3A_9, %scan3A_10 : i32
    %scan3A_12 = arith.constant 1 : i32
    scf.for %scan3A_36 = %scan3A_9 to %scan3A_11 step %scan3A_12  : i32 {
      %mul3A_37 = arith.constant 1 : i32
      %mul3A_38 = arith.muli %scan3A_36, %mul3A_37 : i32
      %add3A_39 = arith.constant 0 : i32
      %add3A_40 = arith.addi %add3A_39, %mul3A_38 : i32
      %mul3A_41 = arith.constant 4992 : i32
      %mul3A_42 = arith.muli %add3A_40, %mul3A_41 : i32
      %add3A_43 = arith.addi %mul3A_4, %mul3A_42 : i32
      "tpu.region"() ({
        %run_scoped3A_70 = tpu.sem_alloc : memref<!tpu.dma_semaphore, #tpu.memory_space<semaphore_mem>>
        %dma_start3A_71 = tpu.memref_slice %arg2[%add3A_43] : memref<640000xi32, #tpu.memory_space<hbm>> -> memref<4992xi32, #tpu.memory_space<hbm>>
        %dma_start3A_72 = tpu.memref_slice %arg2[%add3A_43] : memref<640000xi32, #tpu.memory_space<hbm>> -> memref<4992xi32, #tpu.memory_space<hbm>>
        tpu.enqueue_dma source(%dma_start3A_72 : memref<4992xi32, #tpu.memory_space<hbm>>) target(%arg7 : memref<4992xi32, #tpu.memory_space<vmem>>) target_semaphore(%run_scoped3A_70 : memref<!tpu.dma_semaphore, #tpu.memory_space<semaphore_mem>>)
        %dma_wait3A_73 = tpu.memref_slice %arg2[%add3A_43] : memref<640000xi32, #tpu.memory_space<hbm>> -> memref<4992xi32, #tpu.memory_space<hbm>>
        %dma_wait3A_74 = tpu.memref_slice %arg2[%add3A_43] : memref<640000xi32, #tpu.memory_space<hbm>> -> memref<4992xi32, #tpu.memory_space<hbm>>
        tpu.wait_dma2 semaphore(%run_scoped3A_70 : memref<!tpu.dma_semaphore, #tpu.memory_space<semaphore_mem>>) src(%dma_wait3A_74 : memref<4992xi32, #tpu.memory_space<hbm>>) dst(%arg7 : memref<4992xi32, #tpu.memory_space<vmem>>)
        tpu.yield
      }) : () -> ()
      %add3A_44 = arith.constant 320000 : i32
      %add3A_45 = arith.addi %add3A_44, %add3A_43 : i32
      "tpu.region"() ({
        %run_scoped3A_70 = tpu.sem_alloc : memref<!tpu.dma_semaphore, #tpu.memory_space<semaphore_mem>>
        %dma_start3A_71 = tpu.memref_slice %arg2[%add3A_45] : memref<640000xi32, #tpu.memory_space<hbm>> -> memref<4992xi32, #tpu.memory_space<hbm>>
        %dma_start3A_72 = tpu.memref_slice %arg2[%add3A_45] : memref<640000xi32, #tpu.memory_space<hbm>> -> memref<4992xi32, #tpu.memory_space<hbm>>
        tpu.enqueue_dma source(%dma_start3A_72 : memref<4992xi32, #tpu.memory_space<hbm>>) target(%arg8 : memref<4992xi32, #tpu.memory_space<vmem>>) target_semaphore(%run_scoped3A_70 : memref<!tpu.dma_semaphore, #tpu.memory_space<semaphore_mem>>)
        %dma_wait3A_73 = tpu.memref_slice %arg2[%add3A_45] : memref<640000xi32, #tpu.memory_space<hbm>> -> memref<4992xi32, #tpu.memory_space<hbm>>
        %dma_wait3A_74 = tpu.memref_slice %arg2[%add3A_45] : memref<640000xi32, #tpu.memory_space<hbm>> -> memref<4992xi32, #tpu.memory_space<hbm>>
        tpu.wait_dma2 semaphore(%run_scoped3A_70 : memref<!tpu.dma_semaphore, #tpu.memory_space<semaphore_mem>>) src(%dma_wait3A_74 : memref<4992xi32, #tpu.memory_space<hbm>>) dst(%arg8 : memref<4992xi32, #tpu.memory_space<vmem>>)
        tpu.yield
      }) : () -> ()
      %scan3A_46 = arith.constant 0 : i32
      %scan3A_47 = arith.constant 8 : i32
      %scan3A_48 = arith.addi %scan3A_46, %scan3A_47 : i32
      %scan3A_49 = arith.constant 1 : i32
      scf.for %scan3A_70 = %scan3A_46 to %scan3A_48 step %scan3A_49  : i32 {
        %mul3A_71 = arith.constant 1 : i32
        %mul3A_72 = arith.muli %scan3A_70, %mul3A_71 : i32
        %add3A_73 = arith.constant 0 : i32
        %add3A_74 = arith.addi %add3A_73, %mul3A_72 : i32
        %mul3A_75 = arith.constant 16 : i32
        %mul3A_76 = arith.muli %add3A_74, %mul3A_75 : i32
        %add3A_77 = arith.constant 0 : i32
        %add3A_78 = arith.addi %add3A_77, %mul3A_76 : i32
        %get3A_79 = arith.index_cast %add3A_78 : i32 to index
        %get3A_80 = tpu.vector_load %arg8[%get3A_79] {strides = array<i32>} : memref<4992xi32, #tpu.memory_space<vmem>>, vector<16xi32>,
        %get3A_81 = vector.shape_cast %get3A_80 : vector<16xi32> to vector<16xi32>
        %mul3A_82 = arith.constant 16 : i32
        %mul3A_83 = arith.muli %add3A_74, %mul3A_82 : i32
        %swap3A_84 = arith.constant 0 : i32
        %swap3A_85 = arith.index_cast %swap3A_84 : i32 to index
        %swap3A_86 = arith.index_cast %mul3A_83 : i32 to index
        %swap3A_87 = tpu.vector_load %arg9[%swap3A_85, %swap3A_86] {strides = array<i32>} : memref<2x128xi32, #tpu.memory_space<vmem>>, vector<1x16xi32>,
        %swap3A_88 = vector.shape_cast %swap3A_87 : vector<1x16xi32> to vector<16xi32>
        %swap3A_89 = vector.shape_cast %get3A_81 : vector<16xi32> to vector<1x16xi32>
        tpu.vector_store %arg9[%swap3A_85, %swap3A_86], %swap3A_89 {strides = array<i32>} : memref<2x128xi32, #tpu.memory_space<vmem>>, vector<1x16xi32>,
      }
      %scan3A_50 = arith.constant 8 : i32
      %dma_start3A = arith.constant 0 : i32
      %dma_start3A_51 = tpu.memref_slice %arg7[%dma_start3A] : memref<4992xi32, #tpu.memory_space<vmem>> -> memref<128xi32, #tpu.memory_space<vmem>>
      %dma_start3A_52 = arith.constant 0 : i32
      %dma_start3A_53 = arith.constant 0 : i32
      %dma_start3A_54 = tpu.memref_slice %arg3[%dma_start3A_52, %dma_start3A_53] : memref<10240x128xf32, #tpu.memory_space<hbm>> -> memref<10240x128xf32, #tpu.memory_space<hbm>>
      tpu.enqueue_indirect_dma source(%dma_start3A_54 : memref<10240x128xf32, #tpu.memory_space<hbm>>) target(%arg11 : memref<128x128xf32, #tpu.memory_space<vmem>>) offsets(%dma_start3A_51 : memref<128xi32, #tpu.memory_space<vmem>>) semaphore(%arg14 : memref<!tpu.dma_semaphore, #tpu.memory_space<semaphore_mem>>)
      %dma_wait3A = arith.constant 0 : i32
      %dma_wait3A_55 = tpu.memref_slice %arg7[%dma_wait3A] : memref<4992xi32, #tpu.memory_space<vmem>> -> memref<128xi32, #tpu.memory_space<vmem>>
      %dma_wait3A_56 = arith.constant 0 : i32
      %dma_wait3A_57 = arith.constant 0 : i32
      %dma_wait3A_58 = tpu.memref_slice %arg3[%dma_wait3A_56, %dma_wait3A_57] : memref<10240x128xf32, #tpu.memory_space<hbm>> -> memref<10240x128xf32, #tpu.memory_space<hbm>>
      tpu.wait_indirect_dma semaphore(%arg14 : memref<!tpu.dma_semaphore, #tpu.memory_space<semaphore_mem>>) src(%dma_wait3A_58 : memref<10240x128xf32, #tpu.memory_space<hbm>>) dst(%arg11 : memref<128x128xf32, #tpu.memory_space<vmem>>)
      %scan3A_59 = arith.constant 0 : i32
      %scan3A_60 = arith.constant 19 : i32
      %scan3A_61 = arith.addi %scan3A_59, %scan3A_60 : i32
      %scan3A_62 = arith.constant 1 : i32
      scf.for %scan3A_70 = %scan3A_59 to %scan3A_61 step %scan3A_62  : i32 {
        %mul3A_71 = arith.constant 2 : i32
        %mul3A_72 = arith.muli %scan3A_70, %mul3A_71 : i32
        %add3A_73 = arith.constant 0 : i32
        %add3A_74 = arith.addi %add3A_73, %mul3A_72 : i32
        %add3A_75 = arith.constant 1 : i32
        %add3A_76 = arith.addi %add3A_74, %add3A_75 : i32
        %mul3A_77 = arith.constant 128 : i32
        %mul3A_78 = arith.muli %add3A_76, %mul3A_77 : i32
        %dma_start3A_79 = tpu.memref_slice %arg7[%mul3A_78] : memref<4992xi32, #tpu.memory_space<vmem>> -> memref<128xi32, #tpu.memory_space<vmem>>
        %dma_start3A_80 = arith.constant 0 : i32
        %dma_start3A_81 = arith.constant 0 : i32
        %dma_start3A_82 = tpu.memref_slice %arg3[%dma_start3A_80, %dma_start3A_81] : memref<10240x128xf32, #tpu.memory_space<hbm>> -> memref<10240x128xf32, #tpu.memory_space<hbm>>
        tpu.enqueue_indirect_dma source(%dma_start3A_82 : memref<10240x128xf32, #tpu.memory_space<hbm>>) target(%arg12 : memref<128x128xf32, #tpu.memory_space<vmem>>) offsets(%dma_start3A_79 : memref<128xi32, #tpu.memory_space<vmem>>) semaphore(%arg15 : memref<!tpu.dma_semaphore, #tpu.memory_space<semaphore_mem>>)
        %add3A_83 = arith.constant 1 : i32
        %add3A_84 = arith.addi %add3A_74, %add3A_83 : i32
        %scan3A_85 = arith.constant 0 : i32
        %scan3A_86 = arith.constant 8 : i32
        %scan3A_87 = arith.addi %scan3A_85, %scan3A_86 : i32
        %scan3A_88 = arith.constant 1 : i32
        scf.for %scan3A_115 = %scan3A_85 to %scan3A_87 step %scan3A_88  : i32 {
          %mul3A_116 = arith.constant 1 : i32
          %mul3A_117 = arith.muli %scan3A_115, %mul3A_116 : i32
          %add3A_118 = arith.constant 0 : i32
          %add3A_119 = arith.addi %add3A_118, %mul3A_117 : i32
          %mul3A_120 = arith.constant 128 : i32
          %mul3A_121 = arith.muli %add3A_84, %mul3A_120 : i32
          %mul3A_122 = arith.constant 16 : i32
          %mul3A_123 = arith.muli %add3A_119, %mul3A_122 : i32
          %add3A_124 = arith.addi %mul3A_121, %mul3A_123 : i32
          %get3A_125 = arith.index_cast %add3A_124 : i32 to index
          %get3A_126 = tpu.vector_load %arg8[%get3A_125] {strides = array<i32>} : memref<4992xi32, #tpu.memory_space<vmem>>, vector<16xi32>,
          %get3A_127 = vector.shape_cast %get3A_126 : vector<16xi32> to vector<16xi32>
          %mul3A_128 = arith.constant 16 : i32
          %mul3A_129 = arith.muli %add3A_119, %mul3A_128 : i32
          %swap3A_130 = arith.constant 1 : i32
          %swap3A_131 = arith.index_cast %swap3A_130 : i32 to index
          %swap3A_132 = arith.index_cast %mul3A_129 : i32 to index
          %swap3A_133 = tpu.vector_load %arg9[%swap3A_131, %swap3A_132] {strides = array<i32>} : memref<2x128xi32, #tpu.memory_space<vmem>>, vector<1x16xi32>,
          %swap3A_134 = vector.shape_cast %swap3A_133 : vector<1x16xi32> to vector<16xi32>
          %swap3A_135 = vector.shape_cast %get3A_127 : vector<16xi32> to vector<1x16xi32>
          tpu.vector_store %arg9[%swap3A_131, %swap3A_132], %swap3A_135 {strides = array<i32>} : memref<2x128xi32, #tpu.memory_space<vmem>>, vector<1x16xi32>,
        }
        %scan3A_89 = arith.constant 8 : i32
        %run_scoped3A_90 = arith.constant 0 : i32
        "tpu.region"() ({
          %run_scoped3A_115 = tpu.sem_alloc : memref<!tpu.dma_semaphore, #tpu.memory_space<semaphore_mem>>
          %dma_start3A_116 = arith.constant 0 : i32
          %dma_start3A_117 = tpu.memref_slice %arg9[%run_scoped3A_90, %dma_start3A_116] : memref<2x128xi32, #tpu.memory_space<vmem>> -> memref<1x128xi32, #tpu.memory_space<vmem>>
          %dma_start3A_118 = tpu.memref_squeeze %dma_start3A_117 : memref<1x128xi32, #tpu.memory_space<vmem>> -> memref<128xi32, #tpu.memory_space<vmem>>
          %dma_start3A_119 = arith.constant 0 : i32
          %dma_start3A_120 = arith.constant 0 : i32
          %dma_start3A_121 = tpu.memref_slice %arg13[%dma_start3A_119, %dma_start3A_120] : memref<10240x128xf32, #tpu.memory_space<vmem_shared>> -> memref<10240x128xf32, #tpu.memory_space<vmem_shared>>
          tpu.enqueue_indirect_dma source(%arg11 : memref<128x128xf32, #tpu.memory_space<vmem>>) target(%dma_start3A_121 : memref<10240x128xf32, #tpu.memory_space<vmem_shared>>) offsets(%dma_start3A_118 : memref<128xi32, #tpu.memory_space<vmem>>) semaphore(%run_scoped3A_115 : memref<!tpu.dma_semaphore, #tpu.memory_space<semaphore_mem>>) {add = true}
          %dma_wait3A_122 = arith.constant 0 : i32
          %dma_wait3A_123 = tpu.memref_slice %arg9[%run_scoped3A_90, %dma_wait3A_122] : memref<2x128xi32, #tpu.memory_space<vmem>> -> memref<1x128xi32, #tpu.memory_space<vmem>>
          %dma_wait3A_124 = tpu.memref_squeeze %dma_wait3A_123 : memref<1x128xi32, #tpu.memory_space<vmem>> -> memref<128xi32, #tpu.memory_space<vmem>>
          %dma_wait3A_125 = arith.constant 0 : i32
          %dma_wait3A_126 = arith.constant 0 : i32
          %dma_wait3A_127 = tpu.memref_slice %arg13[%dma_wait3A_125, %dma_wait3A_126] : memref<10240x128xf32, #tpu.memory_space<vmem_shared>> -> memref<10240x128xf32, #tpu.memory_space<vmem_shared>>
          tpu.wait_indirect_dma semaphore(%run_scoped3A_115 : memref<!tpu.dma_semaphore, #tpu.memory_space<semaphore_mem>>) src(%arg11 : memref<128x128xf32, #tpu.memory_space<vmem>>) dst(%dma_wait3A_127 : memref<10240x128xf32, #tpu.memory_space<vmem_shared>>)
          tpu.yield
        }) : () -> ()
        %dma_wait3A_91 = tpu.memref_slice %arg7[%mul3A_78] : memref<4992xi32, #tpu.memory_space<vmem>> -> memref<128xi32, #tpu.memory_space<vmem>>
        %dma_wait3A_92 = arith.constant 0 : i32
        %dma_wait3A_93 = arith.constant 0 : i32
        %dma_wait3A_94 = tpu.memref_slice %arg3[%dma_wait3A_92, %dma_wait3A_93] : memref<10240x128xf32, #tpu.memory_space<hbm>> -> memref<10240x128xf32, #tpu.memory_space<hbm>>
        tpu.wait_indirect_dma semaphore(%arg15 : memref<!tpu.dma_semaphore, #tpu.memory_space<semaphore_mem>>) src(%dma_wait3A_94 : memref<10240x128xf32, #tpu.memory_space<hbm>>) dst(%arg12 : memref<128x128xf32, #tpu.memory_space<vmem>>)
        %add3A_95 = arith.constant 2 : i32
        %add3A_96 = arith.addi %add3A_74, %add3A_95 : i32
        %mul3A_97 = arith.constant 128 : i32
        %mul3A_98 = arith.muli %add3A_96, %mul3A_97 : i32
        %dma_start3A_99 = tpu.memref_slice %arg7[%mul3A_98] : memref<4992xi32, #tpu.memory_space<vmem>> -> memref<128xi32, #tpu.memory_space<vmem>>
        %dma_start3A_100 = arith.constant 0 : i32
        %dma_start3A_101 = arith.constant 0 : i32
        %dma_start3A_102 = tpu.memref_slice %arg3[%dma_start3A_100, %dma_start3A_101] : memref<10240x128xf32, #tpu.memory_space<hbm>> -> memref<10240x128xf32, #tpu.memory_space<hbm>>
        tpu.enqueue_indirect_dma source(%dma_start3A_102 : memref<10240x128xf32, #tpu.memory_space<hbm>>) target(%arg11 : memref<128x128xf32, #tpu.memory_space<vmem>>) offsets(%dma_start3A_99 : memref<128xi32, #tpu.memory_space<vmem>>) semaphore(%arg14 : memref<!tpu.dma_semaphore, #tpu.memory_space<semaphore_mem>>)
        %add3A_103 = arith.constant 2 : i32
        %add3A_104 = arith.addi %add3A_74, %add3A_103 : i32
        %scan3A_105 = arith.constant 0 : i32
        %scan3A_106 = arith.constant 8 : i32
        %scan3A_107 = arith.addi %scan3A_105, %scan3A_106 : i32
        %scan3A_108 = arith.constant 1 : i32
        scf.for %scan3A_115 = %scan3A_105 to %scan3A_107 step %scan3A_108  : i32 {
          %mul3A_116 = arith.constant 1 : i32
          %mul3A_117 = arith.muli %scan3A_115, %mul3A_116 : i32
          %add3A_118 = arith.constant 0 : i32
          %add3A_119 = arith.addi %add3A_118, %mul3A_117 : i32
          %mul3A_120 = arith.constant 128 : i32
          %mul3A_121 = arith.muli %add3A_104, %mul3A_120 : i32
          %mul3A_122 = arith.constant 16 : i32
          %mul3A_123 = arith.muli %add3A_119, %mul3A_122 : i32
          %add3A_124 = arith.addi %mul3A_121, %mul3A_123 : i32
          %get3A_125 = arith.index_cast %add3A_124 : i32 to index
          %get3A_126 = tpu.vector_load %arg8[%get3A_125] {strides = array<i32>} : memref<4992xi32, #tpu.memory_space<vmem>>, vector<16xi32>,
          %get3A_127 = vector.shape_cast %get3A_126 : vector<16xi32> to vector<16xi32>
          %mul3A_128 = arith.constant 16 : i32
          %mul3A_129 = arith.muli %add3A_119, %mul3A_128 : i32
          %swap3A_130 = arith.constant 0 : i32
          %swap3A_131 = arith.index_cast %swap3A_130 : i32 to index
          %swap3A_132 = arith.index_cast %mul3A_129 : i32 to index
          %swap3A_133 = tpu.vector_load %arg9[%swap3A_131, %swap3A_132] {strides = array<i32>} : memref<2x128xi32, #tpu.memory_space<vmem>>, vector<1x16xi32>,
          %swap3A_134 = vector.shape_cast %swap3A_133 : vector<1x16xi32> to vector<16xi32>
          %swap3A_135 = vector.shape_cast %get3A_127 : vector<16xi32> to vector<1x16xi32>
          tpu.vector_store %arg9[%swap3A_131, %swap3A_132], %swap3A_135 {strides = array<i32>} : memref<2x128xi32, #tpu.memory_space<vmem>>, vector<1x16xi32>,
        }
        %scan3A_109 = arith.constant 8 : i32
        %run_scoped3A_110 = arith.constant 1 : i32
        "tpu.region"() ({
          %run_scoped3A_115 = tpu.sem_alloc : memref<!tpu.dma_semaphore, #tpu.memory_space<semaphore_mem>>
          %dma_start3A_116 = arith.constant 0 : i32
          %dma_start3A_117 = tpu.memref_slice %arg9[%run_scoped3A_110, %dma_start3A_116] : memref<2x128xi32, #tpu.memory_space<vmem>> -> memref<1x128xi32, #tpu.memory_space<vmem>>
          %dma_start3A_118 = tpu.memref_squeeze %dma_start3A_117 : memref<1x128xi32, #tpu.memory_space<vmem>> -> memref<128xi32, #tpu.memory_space<vmem>>
          %dma_start3A_119 = arith.constant 0 : i32
          %dma_start3A_120 = arith.constant 0 : i32
          %dma_start3A_121 = tpu.memref_slice %arg13[%dma_start3A_119, %dma_start3A_120] : memref<10240x128xf32, #tpu.memory_space<vmem_shared>> -> memref<10240x128xf32, #tpu.memory_space<vmem_shared>>
          tpu.enqueue_indirect_dma source(%arg12 : memref<128x128xf32, #tpu.memory_space<vmem>>) target(%dma_start3A_121 : memref<10240x128xf32, #tpu.memory_space<vmem_shared>>) offsets(%dma_start3A_118 : memref<128xi32, #tpu.memory_space<vmem>>) semaphore(%run_scoped3A_115 : memref<!tpu.dma_semaphore, #tpu.memory_space<semaphore_mem>>) {add = true}
          %dma_wait3A_122 = arith.constant 0 : i32
          %dma_wait3A_123 = tpu.memref_slice %arg9[%run_scoped3A_110, %dma_wait3A_122] : memref<2x128xi32, #tpu.memory_space<vmem>> -> memref<1x128xi32, #tpu.memory_space<vmem>>
          %dma_wait3A_124 = tpu.memref_squeeze %dma_wait3A_123 : memref<1x128xi32, #tpu.memory_space<vmem>> -> memref<128xi32, #tpu.memory_space<vmem>>
          %dma_wait3A_125 = arith.constant 0 : i32
          %dma_wait3A_126 = arith.constant 0 : i32
          %dma_wait3A_127 = tpu.memref_slice %arg13[%dma_wait3A_125, %dma_wait3A_126] : memref<10240x128xf32, #tpu.memory_space<vmem_shared>> -> memref<10240x128xf32, #tpu.memory_space<vmem_shared>>
          tpu.wait_indirect_dma semaphore(%run_scoped3A_115 : memref<!tpu.dma_semaphore, #tpu.memory_space<semaphore_mem>>) src(%arg12 : memref<128x128xf32, #tpu.memory_space<vmem>>) dst(%dma_wait3A_127 : memref<10240x128xf32, #tpu.memory_space<vmem_shared>>)
          tpu.yield
        }) : () -> ()
        %dma_wait3A_111 = tpu.memref_slice %arg7[%mul3A_98] : memref<4992xi32, #tpu.memory_space<vmem>> -> memref<128xi32, #tpu.memory_space<vmem>>
        %dma_wait3A_112 = arith.constant 0 : i32
        %dma_wait3A_113 = arith.constant 0 : i32
        %dma_wait3A_114 = tpu.memref_slice %arg3[%dma_wait3A_112, %dma_wait3A_113] : memref<10240x128xf32, #tpu.memory_space<hbm>> -> memref<10240x128xf32, #tpu.memory_space<hbm>>
        tpu.wait_indirect_dma semaphore(%arg14 : memref<!tpu.dma_semaphore, #tpu.memory_space<semaphore_mem>>) src(%dma_wait3A_114 : memref<10240x128xf32, #tpu.memory_space<hbm>>) dst(%arg11 : memref<128x128xf32, #tpu.memory_space<vmem>>)
      }
      %scan3A_63 = arith.constant 19 : i32
      %scan3A_64 = arith.constant 0 : i32
      %scan3A_65 = arith.constant 8 : i32
      %scan3A_66 = arith.addi %scan3A_64, %scan3A_65 : i32
      %scan3A_67 = arith.constant 1 : i32
      scf.for %scan3A_70 = %scan3A_64 to %scan3A_66 step %scan3A_67  : i32 {
        %mul3A_71 = arith.constant 1 : i32
        %mul3A_72 = arith.muli %scan3A_70, %mul3A_71 : i32
        %add3A_73 = arith.constant 0 : i32
        %add3A_74 = arith.addi %add3A_73, %mul3A_72 : i32
        %mul3A_75 = arith.constant 16 : i32
        %mul3A_76 = arith.muli %add3A_74, %mul3A_75 : i32
        %add3A_77 = arith.constant 4864 : i32
        %add3A_78 = arith.addi %add3A_77, %mul3A_76 : i32
        %get3A_79 = arith.index_cast %add3A_78 : i32 to index
        %get3A_80 = tpu.vector_load %arg8[%get3A_79] {strides = array<i32>} : memref<4992xi32, #tpu.memory_space<vmem>>, vector<16xi32>,
        %get3A_81 = vector.shape_cast %get3A_80 : vector<16xi32> to vector<16xi32>
        %mul3A_82 = arith.constant 16 : i32
        %mul3A_83 = arith.muli %add3A_74, %mul3A_82 : i32
        %swap3A_84 = arith.constant 0 : i32
        %swap3A_85 = arith.index_cast %swap3A_84 : i32 to index
        %swap3A_86 = arith.index_cast %mul3A_83 : i32 to index
        %swap3A_87 = tpu.vector_load %arg9[%swap3A_85, %swap3A_86] {strides = array<i32>} : memref<2x128xi32, #tpu.memory_space<vmem>>, vector<1x16xi32>,
        %swap3A_88 = vector.shape_cast %swap3A_87 : vector<1x16xi32> to vector<16xi32>
        %swap3A_89 = vector.shape_cast %get3A_81 : vector<16xi32> to vector<1x16xi32>
        tpu.vector_store %arg9[%swap3A_85, %swap3A_86], %swap3A_89 {strides = array<i32>} : memref<2x128xi32, #tpu.memory_space<vmem>>, vector<1x16xi32>,
      }
      %scan3A_68 = arith.constant 8 : i32
      %run_scoped3A_69 = arith.constant 0 : i32
      "tpu.region"() ({
        %run_scoped3A_70 = tpu.sem_alloc : memref<!tpu.dma_semaphore, #tpu.memory_space<semaphore_mem>>
        %dma_start3A_71 = arith.constant 0 : i32
        %dma_start3A_72 = tpu.memref_slice %arg9[%run_scoped3A_69, %dma_start3A_71] : memref<2x128xi32, #tpu.memory_space<vmem>> -> memref<1x128xi32, #tpu.memory_space<vmem>>
        %dma_start3A_73 = tpu.memref_squeeze %dma_start3A_72 : memref<1x128xi32, #tpu.memory_space<vmem>> -> memref<128xi32, #tpu.memory_space<vmem>>
        %dma_start3A_74 = arith.constant 0 : i32
        %dma_start3A_75 = arith.constant 0 : i32
        %dma_start3A_76 = tpu.memref_slice %arg13[%dma_start3A_74, %dma_start3A_75] : memref<10240x128xf32, #tpu.memory_space<vmem_shared>> -> memref<10240x128xf32, #tpu.memory_space<vmem_shared>>
        tpu.enqueue_indirect_dma source(%arg11 : memref<128x128xf32, #tpu.memory_space<vmem>>) target(%dma_start3A_76 : memref<10240x128xf32, #tpu.memory_space<vmem_shared>>) offsets(%dma_start3A_73 : memref<128xi32, #tpu.memory_space<vmem>>) semaphore(%run_scoped3A_70 : memref<!tpu.dma_semaphore, #tpu.memory_space<semaphore_mem>>) {add = true}
        %dma_wait3A_77 = arith.constant 0 : i32
        %dma_wait3A_78 = tpu.memref_slice %arg9[%run_scoped3A_69, %dma_wait3A_77] : memref<2x128xi32, #tpu.memory_space<vmem>> -> memref<1x128xi32, #tpu.memory_space<vmem>>
        %dma_wait3A_79 = tpu.memref_squeeze %dma_wait3A_78 : memref<1x128xi32, #tpu.memory_space<vmem>> -> memref<128xi32, #tpu.memory_space<vmem>>
        %dma_wait3A_80 = arith.constant 0 : i32
        %dma_wait3A_81 = arith.constant 0 : i32
        %dma_wait3A_82 = tpu.memref_slice %arg13[%dma_wait3A_80, %dma_wait3A_81] : memref<10240x128xf32, #tpu.memory_space<vmem_shared>> -> memref<10240x128xf32, #tpu.memory_space<vmem_shared>>
        tpu.wait_indirect_dma semaphore(%run_scoped3A_70 : memref<!tpu.dma_semaphore, #tpu.memory_space<semaphore_mem>>) src(%arg11 : memref<128x128xf32, #tpu.memory_space<vmem>>) dst(%dma_wait3A_82 : memref<10240x128xf32, #tpu.memory_space<vmem_shared>>)
        tpu.yield
      }) : () -> ()
    }
    %scan3A_13 = arith.constant 2 : i32
    %add3A_14 = arith.constant 9984 : i32
    %add3A_15 = arith.addi %mul3A_4, %add3A_14 : i32
    "tpu.region"() ({
      %run_scoped3A_36 = tpu.sem_alloc : memref<!tpu.dma_semaphore, #tpu.memory_space<semaphore_mem>>
      %dma_start3A = arith.constant 0 : i32
      %dma_start3A_37 = tpu.memref_slice %arg10[%dma_start3A] : memref<128xi32, #tpu.memory_space<vmem>> -> memref<16xi32, #tpu.memory_space<vmem>>
      %dma_start3A_38 = tpu.memref_slice %arg2[%add3A_15] : memref<640000xi32, #tpu.memory_space<hbm>> -> memref<16xi32, #tpu.memory_space<hbm>>
      %dma_start3A_39 = arith.constant 0 : i32
      %dma_start3A_40 = tpu.memref_slice %arg10[%dma_start3A_39] : memref<128xi32, #tpu.memory_space<vmem>> -> memref<16xi32, #tpu.memory_space<vmem>>
      %dma_start3A_41 = tpu.memref_slice %arg2[%add3A_15] : memref<640000xi32, #tpu.memory_space<hbm>> -> memref<16xi32, #tpu.memory_space<hbm>>
      tpu.enqueue_dma source(%dma_start3A_41 : memref<16xi32, #tpu.memory_space<hbm>>) target(%dma_start3A_40 : memref<16xi32, #tpu.memory_space<vmem>>) target_semaphore(%run_scoped3A_36 : memref<!tpu.dma_semaphore, #tpu.memory_space<semaphore_mem>>)
      %dma_wait3A = arith.constant 0 : i32
      %dma_wait3A_42 = tpu.memref_slice %arg10[%dma_wait3A] : memref<128xi32, #tpu.memory_space<vmem>> -> memref<16xi32, #tpu.memory_space<vmem>>
      %dma_wait3A_43 = tpu.memref_slice %arg2[%add3A_15] : memref<640000xi32, #tpu.memory_space<hbm>> -> memref<16xi32, #tpu.memory_space<hbm>>
      %dma_wait3A_44 = arith.constant 0 : i32
      %dma_wait3A_45 = tpu.memref_slice %arg10[%dma_wait3A_44] : memref<128xi32, #tpu.memory_space<vmem>> -> memref<16xi32, #tpu.memory_space<vmem>>
      %dma_wait3A_46 = tpu.memref_slice %arg2[%add3A_15] : memref<640000xi32, #tpu.memory_space<hbm>> -> memref<16xi32, #tpu.memory_space<hbm>>
      tpu.wait_dma2 semaphore(%run_scoped3A_36 : memref<!tpu.dma_semaphore, #tpu.memory_space<semaphore_mem>>) src(%dma_wait3A_46 : memref<16xi32, #tpu.memory_space<hbm>>) dst(%dma_wait3A_45 : memref<16xi32, #tpu.memory_space<vmem>>)
      tpu.yield
    }) : () -> ()
    %add3A_16 = arith.constant 320000 : i32
    %add3A_17 = arith.addi %add3A_16, %add3A_15 : i32
    "tpu.region"() ({
      %run_scoped3A_36 = tpu.sem_alloc : memref<!tpu.dma_semaphore, #tpu.memory_space<semaphore_mem>>
      %dma_start3A = arith.constant 0 : i32
      %dma_start3A_37 = tpu.memref_slice %arg8[%dma_start3A] : memref<4992xi32, #tpu.memory_space<vmem>> -> memref<16xi32, #tpu.memory_space<vmem>>
      %dma_start3A_38 = tpu.memref_slice %arg2[%add3A_17] : memref<640000xi32, #tpu.memory_space<hbm>> -> memref<16xi32, #tpu.memory_space<hbm>>
      %dma_start3A_39 = arith.constant 0 : i32
      %dma_start3A_40 = tpu.memref_slice %arg8[%dma_start3A_39] : memref<4992xi32, #tpu.memory_space<vmem>> -> memref<16xi32, #tpu.memory_space<vmem>>
      %dma_start3A_41 = tpu.memref_slice %arg2[%add3A_17] : memref<640000xi32, #tpu.memory_space<hbm>> -> memref<16xi32, #tpu.memory_space<hbm>>
      tpu.enqueue_dma source(%dma_start3A_41 : memref<16xi32, #tpu.memory_space<hbm>>) target(%dma_start3A_40 : memref<16xi32, #tpu.memory_space<vmem>>) target_semaphore(%run_scoped3A_36 : memref<!tpu.dma_semaphore, #tpu.memory_space<semaphore_mem>>)
      %dma_wait3A = arith.constant 0 : i32
      %dma_wait3A_42 = tpu.memref_slice %arg8[%dma_wait3A] : memref<4992xi32, #tpu.memory_space<vmem>> -> memref<16xi32, #tpu.memory_space<vmem>>
      %dma_wait3A_43 = tpu.memref_slice %arg2[%add3A_17] : memref<640000xi32, #tpu.memory_space<hbm>> -> memref<16xi32, #tpu.memory_space<hbm>>
      %dma_wait3A_44 = arith.constant 0 : i32
      %dma_wait3A_45 = tpu.memref_slice %arg8[%dma_wait3A_44] : memref<4992xi32, #tpu.memory_space<vmem>> -> memref<16xi32, #tpu.memory_space<vmem>>
      %dma_wait3A_46 = tpu.memref_slice %arg2[%add3A_17] : memref<640000xi32, #tpu.memory_space<hbm>> -> memref<16xi32, #tpu.memory_space<hbm>>
      tpu.wait_dma2 semaphore(%run_scoped3A_36 : memref<!tpu.dma_semaphore, #tpu.memory_space<semaphore_mem>>) src(%dma_wait3A_46 : memref<16xi32, #tpu.memory_space<hbm>>) dst(%dma_wait3A_45 : memref<16xi32, #tpu.memory_space<vmem>>)
      tpu.yield
    }) : () -> ()
    %get3A = arith.constant 0 : index
    %get3A_18 = tpu.vector_load %arg8[%get3A] {strides = array<i32>} : memref<4992xi32, #tpu.memory_space<vmem>>, vector<16xi32>,
    %get3A_19 = vector.shape_cast %get3A_18 : vector<16xi32> to vector<16xi32>
    %swap3A = arith.constant 0 : i32
    %swap3A_20 = arith.index_cast %swap3A : i32 to index
    %swap3A_21 = arith.constant 0 : index
    %swap3A_22 = tpu.vector_load %arg9[%swap3A_20, %swap3A_21] {strides = array<i32>} : memref<2x128xi32, #tpu.memory_space<vmem>>, vector<1x16xi32>,
    %swap3A_23 = vector.shape_cast %swap3A_22 : vector<1x16xi32> to vector<16xi32>
    %swap3A_24 = vector.shape_cast %get3A_19 : vector<16xi32> to vector<1x16xi32>
    tpu.vector_store %arg9[%swap3A_20, %swap3A_21], %swap3A_24 {strides = array<i32>} : memref<2x128xi32, #tpu.memory_space<vmem>>, vector<1x16xi32>,
    %scan3A_25 = arith.constant 0 : i32
    %scan3A_26 = arith.constant 7 : i32
    %scan3A_27 = arith.addi %scan3A_25, %scan3A_26 : i32
    %scan3A_28 = arith.constant 1 : i32
    scf.for %scan3A_36 = %scan3A_25 to %scan3A_27 step %scan3A_28  : i32 {
      %mul3A_37 = arith.constant 1 : i32
      %mul3A_38 = arith.muli %scan3A_36, %mul3A_37 : i32
      %add3A_39 = arith.constant 1 : i32
      %add3A_40 = arith.addi %add3A_39, %mul3A_38 : i32
      %mul3A_41 = arith.constant 16 : i32
      %mul3A_42 = arith.muli %add3A_40, %mul3A_41 : i32
      %get3A_43 = arith.index_cast %mul3A_42 : i32 to index
      %get3A_44 = tpu.vector_load %arg7[%get3A_43] {strides = array<i32>} : memref<4992xi32, #tpu.memory_space<vmem>>, vector<16xi32>,
      %get3A_45 = vector.shape_cast %get3A_44 : vector<16xi32> to vector<16xi32>
      %mul3A_46 = arith.constant 16 : i32
      %mul3A_47 = arith.muli %add3A_40, %mul3A_46 : i32
      %swap3A_48 = arith.index_cast %mul3A_47 : i32 to index
      %swap3A_49 = tpu.vector_load %arg10[%swap3A_48] {strides = array<i32>} : memref<128xi32, #tpu.memory_space<vmem>>, vector<16xi32>,
      %swap3A_50 = vector.shape_cast %swap3A_49 : vector<16xi32> to vector<16xi32>
      %swap3A_51 = vector.shape_cast %get3A_45 : vector<16xi32> to vector<16xi32>
      tpu.vector_store %arg10[%swap3A_48], %swap3A_51 {strides = array<i32>} : memref<128xi32, #tpu.memory_space<vmem>>, vector<16xi32>,
      %mul3A_52 = arith.constant 16 : i32
      %mul3A_53 = arith.muli %add3A_40, %mul3A_52 : i32
      %add3A_54 = arith.constant 10000 : i32
      %add3A_55 = arith.addi %add3A_54, %mul3A_53 : i32
      %iota3A = tpu.iota {dimensions = array<i32: 0>} : vector<16xi32>
      %add3A_56 = vector.broadcast %add3A_55 : i32 to vector<16xi32>
      %add3A_57 = arith.addi %add3A_56, %iota3A : vector<16xi32>
      %mul3A_58 = arith.constant 16 : i32
      %mul3A_59 = arith.muli %add3A_40, %mul3A_58 : i32
      %swap3A_60 = arith.constant 0 : i32
      %swap3A_61 = arith.index_cast %swap3A_60 : i32 to index
      %swap3A_62 = arith.index_cast %mul3A_59 : i32 to index
      %swap3A_63 = tpu.vector_load %arg9[%swap3A_61, %swap3A_62] {strides = array<i32>} : memref<2x128xi32, #tpu.memory_space<vmem>>, vector<1x16xi32>,
      %swap3A_64 = vector.shape_cast %swap3A_63 : vector<1x16xi32> to vector<16xi32>
      %swap3A_65 = vector.shape_cast %add3A_57 : vector<16xi32> to vector<1x16xi32>
      tpu.vector_store %arg9[%swap3A_61, %swap3A_62], %swap3A_65 {strides = array<i32>} : memref<2x128xi32, #tpu.memory_space<vmem>>, vector<1x16xi32>,
    }
    %scan3A_29 = arith.constant 7 : i32
    "tpu.region"() ({
      %run_scoped3A_36 = tpu.sem_alloc : memref<!tpu.dma_semaphore, #tpu.memory_space<semaphore_mem>>
      %dma_start3A = arith.constant 0 : i32
      %dma_start3A_37 = arith.constant 0 : i32
      %dma_start3A_38 = tpu.memref_slice %arg3[%dma_start3A, %dma_start3A_37] : memref<10240x128xf32, #tpu.memory_space<hbm>> -> memref<10240x128xf32, #tpu.memory_space<hbm>>
      tpu.enqueue_indirect_dma source(%dma_start3A_38 : memref<10240x128xf32, #tpu.memory_space<hbm>>) target(%arg11 : memref<128x128xf32, #tpu.memory_space<vmem>>) offsets(%arg10 : memref<128xi32, #tpu.memory_space<vmem>>) semaphore(%run_scoped3A_36 : memref<!tpu.dma_semaphore, #tpu.memory_space<semaphore_mem>>)
      %dma_wait3A = arith.constant 0 : i32
      %dma_wait3A_39 = arith.constant 0 : i32
      %dma_wait3A_40 = tpu.memref_slice %arg3[%dma_wait3A, %dma_wait3A_39] : memref<10240x128xf32, #tpu.memory_space<hbm>> -> memref<10240x128xf32, #tpu.memory_space<hbm>>
      tpu.wait_indirect_dma semaphore(%run_scoped3A_36 : memref<!tpu.dma_semaphore, #tpu.memory_space<semaphore_mem>>) src(%dma_wait3A_40 : memref<10240x128xf32, #tpu.memory_space<hbm>>) dst(%arg11 : memref<128x128xf32, #tpu.memory_space<vmem>>)
      tpu.yield
    }) : () -> ()
    %run_scoped3A = arith.constant 0 : i32
    "tpu.region"() ({
      %run_scoped3A_36 = tpu.sem_alloc : memref<!tpu.dma_semaphore, #tpu.memory_space<semaphore_mem>>
      %dma_start3A = arith.constant 0 : i32
      %dma_start3A_37 = tpu.memref_slice %arg9[%run_scoped3A, %dma_start3A] : memref<2x128xi32, #tpu.memory_space<vmem>> -> memref<1x128xi32, #tpu.memory_space<vmem>>
      %dma_start3A_38 = tpu.memref_squeeze %dma_start3A_37 : memref<1x128xi32, #tpu.memory_space<vmem>> -> memref<128xi32, #tpu.memory_space<vmem>>
      %dma_start3A_39 = arith.constant 0 : i32
      %dma_start3A_40 = arith.constant 0 : i32
      %dma_start3A_41 = tpu.memref_slice %arg13[%dma_start3A_39, %dma_start3A_40] : memref<10240x128xf32, #tpu.memory_space<vmem_shared>> -> memref<10240x128xf32, #tpu.memory_space<vmem_shared>>
      tpu.enqueue_indirect_dma source(%arg11 : memref<128x128xf32, #tpu.memory_space<vmem>>) target(%dma_start3A_41 : memref<10240x128xf32, #tpu.memory_space<vmem_shared>>) offsets(%dma_start3A_38 : memref<128xi32, #tpu.memory_space<vmem>>) semaphore(%run_scoped3A_36 : memref<!tpu.dma_semaphore, #tpu.memory_space<semaphore_mem>>) {add = true}
      %dma_wait3A = arith.constant 0 : i32
      %dma_wait3A_42 = tpu.memref_slice %arg9[%run_scoped3A, %dma_wait3A] : memref<2x128xi32, #tpu.memory_space<vmem>> -> memref<1x128xi32, #tpu.memory_space<vmem>>
      %dma_wait3A_43 = tpu.memref_squeeze %dma_wait3A_42 : memref<1x128xi32, #tpu.memory_space<vmem>> -> memref<128xi32, #tpu.memory_space<vmem>>
      %dma_wait3A_44 = arith.constant 0 : i32
      %dma_wait3A_45 = arith.constant 0 : i32
      %dma_wait3A_46 = tpu.memref_slice %arg13[%dma_wait3A_44, %dma_wait3A_45] : memref<10240x128xf32, #tpu.memory_space<vmem_shared>> -> memref<10240x128xf32, #tpu.memory_space<vmem_shared>>
      tpu.wait_indirect_dma semaphore(%run_scoped3A_36 : memref<!tpu.dma_semaphore, #tpu.memory_space<semaphore_mem>>) src(%arg11 : memref<128x128xf32, #tpu.memory_space<vmem>>) dst(%dma_wait3A_46 : memref<10240x128xf32, #tpu.memory_space<vmem_shared>>)
      tpu.yield
    }) : () -> ()
    %barrier3A_30 = arith.constant 0 : index
    tpu.barrier barrier_id(%barrier3A_30)
    %scan3A_31 = arith.constant 0 : i32
    %scan3A_32 = arith.constant 5 : i32
    %scan3A_33 = arith.addi %scan3A_31, %scan3A_32 : i32
    %scan3A_34 = arith.constant 1 : i32
    scf.for %scan3A_36 = %scan3A_31 to %scan3A_33 step %scan3A_34  : i32 {
      %mul3A_37 = arith.constant 1 : i32
      %mul3A_38 = arith.muli %scan3A_36, %mul3A_37 : i32
      %add3A_39 = arith.constant 0 : i32
      %add3A_40 = arith.addi %add3A_39, %mul3A_38 : i32
      %mul3A_41 = arith.constant 128 : i32
      %mul3A_42 = arith.muli %add3A_40, %mul3A_41 : i32
      %add3A_43 = arith.addi %mul3A_2, %mul3A_42 : i32
      "tpu.region"() ({
        %run_scoped3A_51 = tpu.sem_alloc : memref<!tpu.dma_semaphore, #tpu.memory_space<semaphore_mem>>
        %dma_start3A = arith.constant 0 : i32
        %dma_start3A_52 = tpu.memref_slice %arg13[%add3A_43, %dma_start3A] : memref<10240x128xf32, #tpu.memory_space<vmem_shared>> -> memref<128x128xf32, #tpu.memory_space<vmem_shared>>
        %dma_start3A_53 = arith.constant 0 : i32
        %dma_start3A_54 = tpu.memref_slice %arg13[%add3A_43, %dma_start3A_53] : memref<10240x128xf32, #tpu.memory_space<vmem_shared>> -> memref<128x128xf32, #tpu.memory_space<vmem_shared>>
        tpu.enqueue_dma source(%dma_start3A_54 : memref<128x128xf32, #tpu.memory_space<vmem_shared>>) target(%arg11 : memref<128x128xf32, #tpu.memory_space<vmem>>) target_semaphore(%run_scoped3A_51 : memref<!tpu.dma_semaphore, #tpu.memory_space<semaphore_mem>>)
        %dma_wait3A = arith.constant 0 : i32
        %dma_wait3A_55 = tpu.memref_slice %arg13[%add3A_43, %dma_wait3A] : memref<10240x128xf32, #tpu.memory_space<vmem_shared>> -> memref<128x128xf32, #tpu.memory_space<vmem_shared>>
        %dma_wait3A_56 = arith.constant 0 : i32
        %dma_wait3A_57 = tpu.memref_slice %arg13[%add3A_43, %dma_wait3A_56] : memref<10240x128xf32, #tpu.memory_space<vmem_shared>> -> memref<128x128xf32, #tpu.memory_space<vmem_shared>>
        tpu.wait_dma2 semaphore(%run_scoped3A_51 : memref<!tpu.dma_semaphore, #tpu.memory_space<semaphore_mem>>) src(%dma_wait3A_57 : memref<128x128xf32, #tpu.memory_space<vmem_shared>>) dst(%arg11 : memref<128x128xf32, #tpu.memory_space<vmem>>)
        tpu.yield
      }) : () -> ()
      %eq3A = arith.constant 0 : i32
      %eq3A_44 = arith.cmpi eq, %arg0, %eq3A : i32
      %convert_element_type3A = arith.extui %eq3A_44 : i1 to i32
      %cond3A = arith.constant 0 : i32
      %cond3A_45 = arith.cmpi ne, %convert_element_type3A, %cond3A : i32
      scf.if %cond3A_45 {
        "tpu.region"() ({
          %run_scoped3A_51 = tpu.sem_alloc : memref<!tpu.dma_semaphore, #tpu.memory_space<semaphore_mem>>
          %dma_start3A = arith.constant 0 : i32
          %dma_start3A_52 = tpu.memref_slice %arg5[%add3A_43, %dma_start3A] : memref<10240x128xf32, #tpu.memory_space<hbm>> -> memref<128x128xf32, #tpu.memory_space<hbm>>
          %dma_start3A_53 = arith.constant 0 : i32
          %dma_start3A_54 = tpu.memref_slice %arg5[%add3A_43, %dma_start3A_53] : memref<10240x128xf32, #tpu.memory_space<hbm>> -> memref<128x128xf32, #tpu.memory_space<hbm>>
          tpu.enqueue_dma source(%arg11 : memref<128x128xf32, #tpu.memory_space<vmem>>) target(%dma_start3A_54 : memref<128x128xf32, #tpu.memory_space<hbm>>) target_semaphore(%run_scoped3A_51 : memref<!tpu.dma_semaphore, #tpu.memory_space<semaphore_mem>>)
          %dma_wait3A = arith.constant 0 : i32
          %dma_wait3A_55 = tpu.memref_slice %arg5[%add3A_43, %dma_wait3A] : memref<10240x128xf32, #tpu.memory_space<hbm>> -> memref<128x128xf32, #tpu.memory_space<hbm>>
          %dma_wait3A_56 = arith.constant 0 : i32
          %dma_wait3A_57 = tpu.memref_slice %arg5[%add3A_43, %dma_wait3A_56] : memref<10240x128xf32, #tpu.memory_space<hbm>> -> memref<128x128xf32, #tpu.memory_space<hbm>>
          tpu.wait_dma2 semaphore(%run_scoped3A_51 : memref<!tpu.dma_semaphore, #tpu.memory_space<semaphore_mem>>) src(%arg11 : memref<128x128xf32, #tpu.memory_space<vmem>>) dst(%dma_wait3A_57 : memref<128x128xf32, #tpu.memory_space<hbm>>)
          tpu.yield
        }) : () -> ()
      } else {
      }
      %eq3A_46 = arith.constant 1 : i32
      %eq3A_47 = arith.cmpi eq, %arg0, %eq3A_46 : i32
      %convert_element_type3A_48 = arith.extui %eq3A_47 : i1 to i32
      %cond3A_49 = arith.constant 0 : i32
      %cond3A_50 = arith.cmpi ne, %convert_element_type3A_48, %cond3A_49 : i32
      scf.if %cond3A_50 {
        "tpu.region"() ({
          %run_scoped3A_51 = tpu.sem_alloc : memref<!tpu.dma_semaphore, #tpu.memory_space<semaphore_mem>>
          %dma_start3A = arith.constant 0 : i32
          %dma_start3A_52 = tpu.memref_slice %arg6[%add3A_43, %dma_start3A] : memref<10240x128xf32, #tpu.memory_space<hbm>> -> memref<128x128xf32, #tpu.memory_space<hbm>>
          %dma_start3A_53 = arith.constant 0 : i32
          %dma_start3A_54 = tpu.memref_slice %arg6[%add3A_43, %dma_start3A_53] : memref<10240x128xf32, #tpu.memory_space<hbm>> -> memref<128x128xf32, #tpu.memory_space<hbm>>
          tpu.enqueue_dma source(%arg11 : memref<128x128xf32, #tpu.memory_space<vmem>>) target(%dma_start3A_54 : memref<128x128xf32, #tpu.memory_space<hbm>>) target_semaphore(%run_scoped3A_51 : memref<!tpu.dma_semaphore, #tpu.memory_space<semaphore_mem>>)
          %dma_wait3A = arith.constant 0 : i32
          %dma_wait3A_55 = tpu.memref_slice %arg6[%add3A_43, %dma_wait3A] : memref<10240x128xf32, #tpu.memory_space<hbm>> -> memref<128x128xf32, #tpu.memory_space<hbm>>
          %dma_wait3A_56 = arith.constant 0 : i32
          %dma_wait3A_57 = tpu.memref_slice %arg6[%add3A_43, %dma_wait3A_56] : memref<10240x128xf32, #tpu.memory_space<hbm>> -> memref<128x128xf32, #tpu.memory_space<hbm>>
          tpu.wait_dma2 semaphore(%run_scoped3A_51 : memref<!tpu.dma_semaphore, #tpu.memory_space<semaphore_mem>>) src(%arg11 : memref<128x128xf32, #tpu.memory_space<vmem>>) dst(%dma_wait3A_57 : memref<128x128xf32, #tpu.memory_space<hbm>>)
          tpu.yield
        }) : () -> ()
      } else {
      }
    }
    %scan3A_35 = arith.constant 5 : i32
    return
  }
}

module attributes {stable_mosaic.version = 14 : i64} {
  func.func @_k2a_body(%arg0: i32, %arg1: memref<2048x128xf32, #tpu.memory_space<vmem>>, %arg2: memref<128x128xf32, #tpu.memory_space<vmem>>, %arg3: memref<2048x128xf32, #tpu.memory_space<vmem>>) attributes {dimension_semantics = [#tpu.dimension_semantics<arbitrary>], iteration_bounds = array<i64: 5>, scalar_prefetch = 0 : i64, scratch_operands = 0 : i64, tpu.core_type = #tpu.core_type<tc>, window_params = [{transform_indices = @transform_0, window_bounds = array<i64: 2048, 128>}, {pipeline_mode = #tpu.pipeline_mode<synchronous>, transform_indices = @transform_1, window_bounds = array<i64: 128, 128>}, {transform_indices = @transform_2, window_bounds = array<i64: 2048, 128>}]} {
    %get3A = arith.constant 0 : index
    %get3A_0 = arith.constant 0 : index
    %get3A_1 = vector.load %arg1[%get3A, %get3A_0] : memref<2048x128xf32, #tpu.memory_space<vmem>>, vector<2048x128xf32>
    %get3A_2 = arith.constant 0 : index
    %get3A_3 = arith.constant 0 : index
    %get3A_4 = vector.load %arg2[%get3A_2, %get3A_3] : memref<128x128xf32, #tpu.memory_space<vmem>>, vector<128x128xf32>
    %dot_general3A = arith.constant dense<0.000000e+00> : vector<2048x128xf32>
    %dot_general3A_5 = tpu.matmul %get3A_1, %get3A_4, %dot_general3A {dimension_numbers = #tpu.dot_dimension_numbers<[1], [0], [0], [1], [0, 0, 1, 1], [], []>, transpose_lhs_hint = false} : vector<2048x128xf32>, vector<128x128xf32>, vector<2048x128xf32> -> vector<2048x128xf32>
    %swap3A = arith.constant 0 : index
    %swap3A_6 = arith.constant 0 : index
    %swap3A_7 = vector.load %arg3[%swap3A, %swap3A_6] : memref<2048x128xf32, #tpu.memory_space<vmem>>, vector<2048x128xf32>
    tpu.vector_store %arg3[%swap3A, %swap3A_6], %dot_general3A_5 {strides = array<i32>} : memref<2048x128xf32, #tpu.memory_space<vmem>>, vector<2048x128xf32>,
    return
  }
  func.func @transform_0(%arg0: i32) -> (i32, i32) {
    %c0_i32 = arith.constant 0 : i32
    %c0_i32_0 = arith.constant 0 : i32
    return %arg0, %c0_i32 : i32, i32
  }
  func.func @transform_1(%arg0: i32) -> (i32, i32) {
    %c0_i32 = arith.constant 0 : i32
    %c0_i32_0 = arith.constant 0 : i32
    %c0_i32_1 = arith.constant 0 : i32
    return %c0_i32, %c0_i32_0 : i32, i32
  }
  func.func @transform_2(%arg0: i32) -> (i32, i32) {
    %c0_i32 = arith.constant 0 : i32
    %c0_i32_0 = arith.constant 0 : i32
    return %arg0, %c0_i32 : i32, i32
  }
}

module attributes {stable_mosaic.version = 14 : i64} {
  func.func @_k2b_body(%arg0: i32, %arg1: memref<2048x128xf32, #tpu.memory_space<vmem>>, %arg2: memref<2048xf32, #tpu.memory_space<vmem>>, %arg3: memref<2048xf32, #tpu.memory_space<vmem>>, %arg4: memref<2048x128xf32, #tpu.memory_space<vmem>>) attributes {dimension_semantics = [#tpu.dimension_semantics<arbitrary>], iteration_bounds = array<i64: 5>, scalar_prefetch = 0 : i64, scratch_operands = 0 : i64, tpu.core_type = #tpu.core_type<tc>, window_params = [{transform_indices = @transform_0, window_bounds = array<i64: 2048, 128>}, {transform_indices = @transform_1, window_bounds = array<i64: 2048>}, {transform_indices = @transform_2, window_bounds = array<i64: 2048>}, {transform_indices = @transform_3, window_bounds = array<i64: 2048, 128>}]} {
    %get3A = arith.constant 0 : index
    %get3A_0 = vector.load %arg2[%get3A] : memref<2048xf32, #tpu.memory_space<vmem>>, vector<2048xf32>
    %add3A = arith.constant 1.000000e+00 : f32
    %add3A_1 = vector.broadcast %add3A : f32 to vector<2048xf32>
    %add3A_2 = arith.addf %add3A_1, %get3A_0 : vector<2048xf32>
    %get3A_3 = arith.constant 0 : index
    %get3A_4 = vector.load %arg3[%get3A_3] : memref<2048xf32, #tpu.memory_space<vmem>>, vector<2048xf32>
    %add3A_5 = arith.addf %add3A_2, %get3A_4 : vector<2048xf32>
    %rsqrt3A = math.rsqrt %add3A_5 : vector<2048xf32>
    %reshape3A = vector.shape_cast %rsqrt3A : vector<2048xf32> to vector<2048x1xf32>
    %get3A_6 = arith.constant 0 : index
    %get3A_7 = arith.constant 0 : index
    %get3A_8 = vector.load %arg1[%get3A_6, %get3A_7] : memref<2048x128xf32, #tpu.memory_space<vmem>>, vector<2048x128xf32>
    %mul3A = vector.broadcast %reshape3A : vector<2048x1xf32> to vector<2048x128xf32>
    %mul3A_9 = arith.mulf %get3A_8, %mul3A : vector<2048x128xf32>
    %swap3A = arith.constant 0 : index
    %swap3A_10 = arith.constant 0 : index
    %swap3A_11 = vector.load %arg4[%swap3A, %swap3A_10] : memref<2048x128xf32, #tpu.memory_space<vmem>>, vector<2048x128xf32>
    tpu.vector_store %arg4[%swap3A, %swap3A_10], %mul3A_9 {strides = array<i32>} : memref<2048x128xf32, #tpu.memory_space<vmem>>, vector<2048x128xf32>,
    return
  }
  func.func @transform_0(%arg0: i32) -> (i32, i32) {
    %c0_i32 = arith.constant 0 : i32
    %c0_i32_0 = arith.constant 0 : i32
    return %arg0, %c0_i32 : i32, i32
  }
  func.func @transform_1(%arg0: i32) -> i32 {
    %c0_i32 = arith.constant 0 : i32
    return %arg0 : i32
  }
  func.func @transform_2(%arg0: i32) -> i32 {
    %c0_i32 = arith.constant 0 : i32
    return %arg0 : i32
  }
  func.func @transform_3(%arg0: i32) -> (i32, i32) {
    %c0_i32 = arith.constant 0 : i32
    %c0_i32_0 = arith.constant 0 : i32
    return %arg0, %c0_i32 : i32, i32
  }
}

module attributes {stable_mosaic.version = 14 : i64} {
  func.func @_k4_body(%arg0: i32, %arg1: memref<2048x128xf32, #tpu.memory_space<vmem>>, %arg2: memref<2048x128xf32, #tpu.memory_space<vmem>>, %arg3: memref<2048x128xf32, #tpu.memory_space<vmem>>, %arg4: memref<2048xf32, #tpu.memory_space<vmem>>, %arg5: memref<2048xf32, #tpu.memory_space<vmem>>, %arg6: memref<128x128xf32, #tpu.memory_space<vmem>>, %arg7: memref<1x128xf32, #tpu.memory_space<vmem>>, %arg8: memref<128x128xf32, #tpu.memory_space<vmem>>, %arg9: memref<1x128xf32, #tpu.memory_space<vmem>>, %arg10: memref<2048x1x128xf32, #tpu.memory_space<vmem>>, %arg11: memref<2048x128xf32, #tpu.memory_space<vmem>>) attributes {dimension_semantics = [#tpu.dimension_semantics<arbitrary>], iteration_bounds = array<i64: 5>, scalar_prefetch = 0 : i64, scratch_operands = 0 : i64, tpu.core_type = #tpu.core_type<tc>, window_params = [{transform_indices = @transform_0, window_bounds = array<i64: 2048, 128>}, {transform_indices = @transform_1, window_bounds = array<i64: 2048, 128>}, {transform_indices = @transform_2, window_bounds = array<i64: 2048, 128>}, {transform_indices = @transform_3, window_bounds = array<i64: 2048>}, {transform_indices = @transform_4, window_bounds = array<i64: 2048>}, {pipeline_mode = #tpu.pipeline_mode<synchronous>, transform_indices = @transform_5, window_bounds = array<i64: 128, 128>}, {pipeline_mode = #tpu.pipeline_mode<synchronous>, transform_indices = @transform_6, window_bounds = array<i64: 1, 128>}, {pipeline_mode = #tpu.pipeline_mode<synchronous>, transform_indices = @transform_7, window_bounds = array<i64: 128, 128>}, {pipeline_mode = #tpu.pipeline_mode<synchronous>, transform_indices = @transform_8, window_bounds = array<i64: 1, 128>}, {transform_indices = @transform_9, window_bounds = array<i64: 2048, 1, 128>}, {transform_indices = @transform_10, window_bounds = array<i64: 2048, 128>}]} {
    %get3A = arith.constant 0 : index
    %get3A_0 = arith.constant 0 : index
    %get3A_1 = vector.load %arg1[%get3A, %get3A_0] : memref<2048x128xf32, #tpu.memory_space<vmem>>, vector<2048x128xf32>
    %get3A_2 = arith.constant 0 : index
    %get3A_3 = arith.constant 0 : index
    %get3A_4 = vector.load %arg2[%get3A_2, %get3A_3] : memref<2048x128xf32, #tpu.memory_space<vmem>>, vector<2048x128xf32>
    %add3A = arith.addf %get3A_1, %get3A_4 : vector<2048x128xf32>
    %get3A_5 = arith.constant 0 : index
    %get3A_6 = arith.constant 0 : index
    %get3A_7 = vector.load %arg3[%get3A_5, %get3A_6] : memref<2048x128xf32, #tpu.memory_space<vmem>>, vector<2048x128xf32>
    %add3A_8 = arith.addf %add3A, %get3A_7 : vector<2048x128xf32>
    %get3A_9 = arith.constant 0 : index
    %get3A_10 = vector.load %arg4[%get3A_9] : memref<2048xf32, #tpu.memory_space<vmem>>, vector<2048xf32>
    %add3A_11 = arith.constant 1.000000e+00 : f32
    %add3A_12 = vector.broadcast %add3A_11 : f32 to vector<2048xf32>
    %add3A_13 = arith.addf %add3A_12, %get3A_10 : vector<2048xf32>
    %get3A_14 = arith.constant 0 : index
    %get3A_15 = vector.load %arg5[%get3A_14] : memref<2048xf32, #tpu.memory_space<vmem>>, vector<2048xf32>
    %add3A_16 = arith.addf %add3A_13, %get3A_15 : vector<2048xf32>
    %rsqrt3A = math.rsqrt %add3A_16 : vector<2048xf32>
    %reshape3A = vector.shape_cast %rsqrt3A : vector<2048xf32> to vector<2048x1xf32>
    %mul3A = vector.broadcast %reshape3A : vector<2048x1xf32> to vector<2048x128xf32>
    %mul3A_17 = arith.mulf %mul3A, %add3A_8 : vector<2048x128xf32>
    %max3A = arith.constant 0.000000e+00 : f32
    %max3A_18 = vector.broadcast %max3A : f32 to vector<2048x128xf32>
    %max3A_19 = arith.maximumf %mul3A_17, %max3A_18 : vector<2048x128xf32>
    %get3A_20 = arith.constant 0 : index
    %get3A_21 = arith.constant 0 : index
    %get3A_22 = vector.load %arg6[%get3A_20, %get3A_21] : memref<128x128xf32, #tpu.memory_space<vmem>>, vector<128x128xf32>
    %dot_general3A = arith.constant dense<0.000000e+00> : vector<2048x128xf32>
    %dot_general3A_23 = tpu.matmul %max3A_19, %get3A_22, %dot_general3A {dimension_numbers = #tpu.dot_dimension_numbers<[1], [0], [0], [1], [0, 0, 1, 1], [], []>, transpose_lhs_hint = false} : vector<2048x128xf32>, vector<128x128xf32>, vector<2048x128xf32> -> vector<2048x128xf32>
    %get3A_24 = arith.constant 0 : index
    %get3A_25 = arith.constant 0 : index
    %get3A_26 = vector.load %arg7[%get3A_24, %get3A_25] : memref<1x128xf32, #tpu.memory_space<vmem>>, vector<1x128xf32>
    %add3A_27 = vector.broadcast %get3A_26 : vector<1x128xf32> to vector<2048x128xf32>
    %add3A_28 = arith.addf %dot_general3A_23, %add3A_27 : vector<2048x128xf32>
    %max3A_29 = arith.constant 0.000000e+00 : f32
    %max3A_30 = vector.broadcast %max3A_29 : f32 to vector<2048x128xf32>
    %max3A_31 = arith.maximumf %add3A_28, %max3A_30 : vector<2048x128xf32>
    %get3A_32 = arith.constant 0 : index
    %get3A_33 = arith.constant 0 : index
    %get3A_34 = vector.load %arg8[%get3A_32, %get3A_33] : memref<128x128xf32, #tpu.memory_space<vmem>>, vector<128x128xf32>
    %dot_general3A_35 = arith.constant dense<0.000000e+00> : vector<2048x128xf32>
    %dot_general3A_36 = tpu.matmul %max3A_31, %get3A_34, %dot_general3A_35 {dimension_numbers = #tpu.dot_dimension_numbers<[1], [0], [0], [1], [0, 0, 1, 1], [], []>, transpose_lhs_hint = false} : vector<2048x128xf32>, vector<128x128xf32>, vector<2048x128xf32> -> vector<2048x128xf32>
    %get3A_37 = arith.constant 0 : index
    %get3A_38 = arith.constant 0 : index
    %get3A_39 = vector.load %arg9[%get3A_37, %get3A_38] : memref<1x128xf32, #tpu.memory_space<vmem>>, vector<1x128xf32>
    %add3A_40 = vector.broadcast %get3A_39 : vector<1x128xf32> to vector<2048x128xf32>
    %add3A_41 = arith.addf %dot_general3A_36, %add3A_40 : vector<2048x128xf32>
    %reshape3A_42 = vector.shape_cast %add3A_41 : vector<2048x128xf32> to vector<2048x1x128xf32>
    %swap3A = arith.constant 0 : index
    %swap3A_43 = arith.constant 0 : index
    %swap3A_44 = arith.constant 0 : index
    %swap3A_45 = vector.load %arg10[%swap3A, %swap3A_43, %swap3A_44] : memref<2048x1x128xf32, #tpu.memory_space<vmem>>, vector<2048x1x128xf32>
    tpu.vector_store %arg10[%swap3A, %swap3A_43, %swap3A_44], %reshape3A_42 {strides = array<i32>} : memref<2048x1x128xf32, #tpu.memory_space<vmem>>, vector<2048x1x128xf32>,
    %swap3A_46 = arith.constant 0 : index
    %swap3A_47 = arith.constant 0 : index
    %swap3A_48 = vector.load %arg11[%swap3A_46, %swap3A_47] : memref<2048x128xf32, #tpu.memory_space<vmem>>, vector<2048x128xf32>
    tpu.vector_store %arg11[%swap3A_46, %swap3A_47], %max3A_19 {strides = array<i32>} : memref<2048x128xf32, #tpu.memory_space<vmem>>, vector<2048x128xf32>,
    return
  }
  func.func @transform_0(%arg0: i32) -> (i32, i32) {
    %c0_i32 = arith.constant 0 : i32
    %c0_i32_0 = arith.constant 0 : i32
    return %arg0, %c0_i32 : i32, i32
  }
  func.func @transform_1(%arg0: i32) -> (i32, i32) {
    %c0_i32 = arith.constant 0 : i32
    %c0_i32_0 = arith.constant 0 : i32
    return %arg0, %c0_i32 : i32, i32
  }
  func.func @transform_2(%arg0: i32) -> (i32, i32) {
    %c0_i32 = arith.constant 0 : i32
    %c0_i32_0 = arith.constant 0 : i32
    return %arg0, %c0_i32 : i32, i32
  }
  func.func @transform_3(%arg0: i32) -> i32 {
    %c0_i32 = arith.constant 0 : i32
    return %arg0 : i32
  }
  func.func @transform_4(%arg0: i32) -> i32 {
    %c0_i32 = arith.constant 0 : i32
    return %arg0 : i32
  }
  func.func @transform_5(%arg0: i32) -> (i32, i32) {
    %c0_i32 = arith.constant 0 : i32
    %c0_i32_0 = arith.constant 0 : i32
    %c0_i32_1 = arith.constant 0 : i32
    return %c0_i32, %c0_i32_0 : i32, i32
  }
  func.func @transform_6(%arg0: i32) -> (i32, i32) {
    %c0_i32 = arith.constant 0 : i32
    %c0_i32_0 = arith.constant 0 : i32
    %c0_i32_1 = arith.constant 0 : i32
    return %c0_i32, %c0_i32_0 : i32, i32
  }
  func.func @transform_7(%arg0: i32) -> (i32, i32) {
    %c0_i32 = arith.constant 0 : i32
    %c0_i32_0 = arith.constant 0 : i32
    %c0_i32_1 = arith.constant 0 : i32
    return %c0_i32, %c0_i32_0 : i32, i32
  }
  func.func @transform_8(%arg0: i32) -> (i32, i32) {
    %c0_i32 = arith.constant 0 : i32
    %c0_i32_0 = arith.constant 0 : i32
    %c0_i32_1 = arith.constant 0 : i32
    return %c0_i32, %c0_i32_0 : i32, i32
  }
  func.func @transform_9(%arg0: i32) -> (i32, i32, i32) {
    %c0_i32 = arith.constant 0 : i32
    %c0_i32_0 = arith.constant 0 : i32
    %c0_i32_1 = arith.constant 0 : i32
    return %arg0, %c0_i32, %c0_i32_0 : i32, i32, i32
  }
  func.func @transform_10(%arg0: i32) -> (i32, i32) {
    %c0_i32 = arith.constant 0 : i32
    %c0_i32_0 = arith.constant 0 : i32
    return %arg0, %c0_i32 : i32, i32
  }
}

</mosaic_0001>

<sc_bundles>
// kernel: kernel.10.cloned.1.call-start
scs
__scs_entry_jumppad:
0x0: {  	(pc) =	sbr.rel $0x88, $3  }
0x1: {  	(tag) =	ssettag $0x0;
	lr =	simm.s32 $0x1  }
0x2: {  	[smem:$0x3F9A] =	sst lr;
	_ =	strace $0xD0000000  }
0x3: {  	_ = 	snop  }
0x4: {  	_ = 	snop  }
0x5: {  	_ = 	snop  }
0x6: {  	_ = 	snop  }
0x7: {  	_ = 	snop  }
__scs_overlays_trampoline_lowered:
0x8: {  	[smem:$0x3FA9] =	sst s0  }
0x9: {  	[smem:$0x3FAA] =	sst s1  }
0xa: {  	[smem:$0x3FAB] =	sst s2  }
0xb: {  	[smem:$0x3FAC] =	sst s3  }
0xc: {  	[smem:$0x3FAD] =	sst s4  }
0xd: {  	[smem:$0x3FAE] =	sst s5  }
0xe: {  	[smem:$0x3FAF] =	sst s6  }
0xf: {  	[smem:$0x3FB0] =	sst s7  }
0x10: {  	[smem:$0x3FB1] =	sst s8  }
0x11: {  	[smem:$0x3FB2] =	sst s9;
	s0 =	simm.s32 @!p0 $0x0  }
0x12: {  	s1 =	sld [smem:$0x3F98];
	s0 =	simm.s32 @p0 $0x1  }
0x13: {  	[smem:$0x3FB3] =	sst s0;
	s0 =	simm.s32 @!p1 $0x0  }
0x14: {  	s2 =	sld [smem:$0x3F97];
	s0 =	simm.s32 @p1 $0x1  }
0x15: {  	[smem:$0x3FB4] =	sst s0;
	s0 =	simm.s32 @!p2 $0x0  }
0x16: {  	s3 =	sld [smem:$0x3FDB];
	s0 =	simm.s32 @p2 $0x1  }
0x17: {  	s4 =	simm.s32 $0x1BF5;
	[smem:$0x3FB6] =	sst s0  }
0x18: {  	s0 =	sld [smem:$0x3F99];
	_ =	swait.ge [sflag:s4], $0x0  }
0x19: {  	s7 =	sld [smem:$0x3F9A]  }
0x1a: {  	s8 =	sadd.s32 $0xFFFFE003, lr  }
0x1b: {  	s9 =	sadd.s32 $0xFFFFFEF7, lr;
	s5 =	simm.s32 $0xFFFFFFFF;
	p2 =	slt.u32 s8, $0xFFFFF086  }
0x1c: {  	p1 =	slt.u32 s9, $0xF7A;
	s5 =	simm.s32 @!p2 $0x0  }
0x1d: {  	s5 =	simm.s32 @p1 $0x1;
	p0 =	seq.s32 s7, s2  }
0x1e: {  	s7 =	smul.u32 @!p0 $0xF7A, s2;
	p2 =	seq.s32 @!p0 s5, $0x0  }
0x1f: {  	s9 =	smul.u32 $0xF7A, s1;
	s8 =	simm.s32 @!p0 $0x1BF5;
	p2 =	por !p2, p0  }
0x20: {  	[sflag:s8] =	ssyncset.s32 @!p0 $0xFFFFF086;
	s6 =	sadd.s32 @!p0 s3, s7;
	s7 =	simm.s32 @!p0 $0x108  }
0x21: {  	s3 =	sadd.s32 s3, s9;
	s6 =	sadd.s32 @!p0 $0x88, s6;
	s7 =	simm.s32 @p2 $0x1082  }
0x22: {  	[simem:s7], [sflag:s8] =	dma.local @!p0 [hbm:s6], $0xF7A  }
0x23: {  	s9 =	sor.u32 $0xD0000000, s2;
	s6 =	simm.s32 $0x108;
	_ =	swait.ge @!p0 [sflag:s8], $0x0  }
0x24: {  	s3 =	sadd.s32 $0x88, s3;
	s6 =	simm.s32 @!p1 $0x1082;
	[sflag:s4] =	ssyncset.s32 $0xFFFFF086  }
0x25: {  	[simem:s6], [sflag:s4] =	dma.local [hbm:s3], $0xF7A  }
0x26: {  	[smem:$0x3F9A] =	sst s1;
	(tag) =	ssettag s2;
	_ =	strace s9  }
0x27: {  	s1 =	sld [smem:$0x3FAA]  }
0x28: {  	s2 =	sld [smem:$0x3FAB]  }
0x29: {  	s4 =	sld [smem:$0x3FAD]  }
0x2a: {  	p0 =	seq.s32 s5, $0x0;
	s5 =	sld [smem:$0x3FAE]  }
0x2b: {  	s6 =	sld [smem:$0x3FAF]  }
0x2c: {  	s7 =	sld [smem:$0x3FB0]  }
0x2d: {  	s3 =	simm.s32 $0x108;
	s8 =	sld [smem:$0x3FB1]  }
0x2e: {  	s3 =	simm.s32 @!p0 $0x1082;
	s9 =	sld [smem:$0x3FB2]  }
0x2f: {  	lr =	sadd.s32 s0, s3;
	s0 =	sld [smem:$0x3FA9]  }
0x30: {  	s3 =	sld [smem:$0x3FAC]  }
0x31: {  	[smem:$0x3FB5] =	sst s10  }
0x32: {  	s10 =	sld [smem:$0x3FB3];
	_ =	sdelay $0x3  }
0x33: {  	p0 =	seq.s32 s10, $0x1;
	s10 =	sld [smem:$0x3FB5];
	_ =	sdelay $0x3  }
0x34: {  	[smem:$0x3FB5] =	sst s10  }
0x35: {  	s10 =	sld [smem:$0x3FB4];
	_ =	sdelay $0x3  }
0x36: {  	p1 =	seq.s32 s10, $0x1;
	s10 =	sld [smem:$0x3FB5];
	_ =	sdelay $0x3  }
0x37: {  	[smem:$0x3FB5] =	sst s10  }
0x38: {  	s10 =	sld [smem:$0x3FB6]  }
0x39: {  	_ = 	snop;
	(pc) =	sbr.ind lr, $3  }
0x3a: {  	_ = 	snop  }
0x3b: {  	_ = 	snop  }
0x3c: {  	p2 =	seq.s32 s10, $0x1;
	s10 =	sld [smem:$0x3FB5]  }
0x3d: {  	_ =	shalt  }
0x3e: {  	_ =	shalt  }
0x3f: {  	_ =	shalt  }
0x40: {  	_ =	shalt  }
0x41: {  	_ =	shalt  }
0x42: {  	_ =	shalt  }
0x43: {  	_ =	shalt  }
0x44: {  	_ =	shalt  }
0x45: {  	_ =	shalt  }
0x46: {  	_ =	shalt  }
0x47: {  	_ =	shalt  }
0x48: {  	_ =	shalt  }
0x49: {  	_ =	shalt  }
0x4a: {  	_ =	shalt  }
0x4b: {  	_ =	shalt  }
0x4c: {  	_ =	shalt  }
0x4d: {  	_ =	shalt  }
0x4e: {  	_ =	shalt  }
0x4f: {  	_ =	shalt  }
0x50: {  	_ =	shalt  }
0x51: {  	_ =	shalt  }
0x52: {  	_ =	shalt  }
0x53: {  	_ =	shalt  }
0x54: {  	_ =	shalt  }
0x55: {  	_ =	shalt  }
0x56: {  	_ =	shalt  }
0x57: {  	_ =	shalt  }
0x58: {  	_ =	shalt  }
0x59: {  	_ =	shalt  }
0x5a: {  	_ =	shalt  }
0x5b: {  	_ =	shalt  }
0x5c: {  	_ =	shalt  }
0x5d: {  	_ =	shalt  }
0x5e: {  	_ =	shalt  }
0x5f: {  	_ =	shalt  }
0x60: {  	_ =	shalt  }
0x61: {  	_ =	shalt  }
0x62: {  	_ =	shalt  }
0x63: {  	_ =	shalt  }
0x64: {  	_ =	shalt  }
0x65: {  	_ =	shalt  }
0x66: {  	_ =	shalt  }
0x67: {  	_ =	shalt  }
0x68: {  	_ =	shalt  }
0x69: {  	_ =	shalt  }
0x6a: {  	_ =	shalt  }
0x6b: {  	_ =	shalt  }
0x6c: {  	_ =	shalt  }
0x6d: {  	_ =	shalt  }
0x6e: {  	_ =	shalt  }
0x6f: {  	_ =	shalt  }
0x70: {  	_ =	shalt  }
0x71: {  	_ =	shalt  }
0x72: {  	_ =	shalt  }
0x73: {  	_ =	shalt  }
0x74: {  	_ =	shalt  }
0x75: {  	_ =	shalt  }
0x76: {  	_ =	shalt  }
0x77: {  	_ =	shalt  }
0x78: {  	_ =	shalt  }
0x79: {  	_ =	shalt  }
0x7a: {  	_ =	shalt  }
0x7b: {  	_ =	shalt  }
0x7c: {  	_ =	shalt  }
0x7d: {  	_ =	shalt  }
0x7e: {  	_ =	shalt  }
0x7f: {  	_ =	shalt  }
0x80: {  	_ =	shalt  }
0x81: {  	_ =	shalt  }
0x82: {  	_ =	shalt  }
0x83: {  	_ =	shalt  }
0x84: {  	_ =	shalt  }
0x85: {  	_ =	shalt  }
0x86: {  	_ =	shalt  }
0x87: {  	_ =	shalt  }
.Lfunc_end0:
.L_simem_size_0:
called_computation.1_lowered:
.L_overlay_start_0:
0x88: {  	s2 =	sld [smem:$0x3FD9]  }
0x89: {  	s3 =	sld [smem:$0x3FFE];
	_ =	sdelay $0x1  }
0x8a: {  	s1 =	srdreg.scid  }
0x8b: {  	s0 =	sand.u32 $0x1, s1  }
0x8c: {  	s14 =	sshll.u32 s0, $0xA;
	s2 =	sadd.s32 s3, s2  }
0x8d: {  	s2 =	sadd.s32 s2, s14  }
0x8e: {  	[smem:$0x3FC1] =	sst s2  }
0x8f: {  	_ = 	snop  }
0x90: {  	s2 =	sld [smem:$0x3FD0];
	_ =	sdelay $0x2  }
0x91: {  	s15 =	simm.s32 $0xA;
	s4 =	simm.s32 $0x10  }
0x92: {  	[smem:s4], [sflag:s15] =	dma.local [hbm:s2], $0x1  }
0x93: {  	_ =	swait.eq [sflag:s15], $0x1  }
0x94: {  	[sflag:s15] =	ssyncset.done $0x0  }
0x95: {  	s16 =	sld [smem:$0x10];
	[sflag:s15] =	ssyncadd.s32 $0xFFFFFFFF  }
0x96: {  	s17 =	sld [smem:$0x11];
	(tm) =	ssettm $0x1  }
0x97: {  	s18 =	sld [smem:$0x3FFB];
	_ =	sdelay $0x3  }
0x98: {  	_ =	strace s18  }
0x99: {  	s4 =	sld [smem:$0x3FFC];
	_ =	sdelay $0x3  }
0x9a: {  	_ =	strace s4  }
0x9b: {  	s4 =	sld [smem:$0x3FFD];
	_ =	sdelay $0x3  }
0x9c: {  	_ =	strace s4  }
0x9d: {  	_ =	strace $0x8FFFFFFF  }
0x9e: {  	s19 =	sld [smem:$0x3FDB];
	_ =	sdelay $0x1  }
0x9f: {  	s5 =	simm.s32 $_scs_section_size  }
0xa0: {  	s6 =	simm.s32 $_size__tile_overlayer_lowered;
	s7 =	simm.s32 $_tile_overlayer_lowered  }
0xa1: {  	s22 =	simm.s32 $0x1BFF;
	s21 =	sshll.u32 s7, $0x1;
	s4 =	sadd.s32 s5, s19  }
0xa2: {  	s8 =	simm.s32 $0x0;
	s20 =	sshll.u32 s6, $0x1;
	s6 =	sadd.s32 s21, s4  }
0xa3: {  	[timem:s8], [sflag:s22] =	dma.local [hbm:s6], s20  }
0xa4: {  	_ =	swait.ge [sflag:s22], s20  }
0xa5: {  	s5 =	ssub.s32 $0x0, s20;
	[sflag:s22] =	ssyncset.done $0x0  }
0xa6: {  	[sflag:s22] =	ssyncadd.s32 s5;
	_ =	sdelay $0x1  }
0xa7: {  	s23 =	simm.s32 $0x1B8B  }
0xa8: {  	_ =	swait.ge [sflag:s23], $0x1  }
0xa9: {  	[sflag:s23] =	ssyncset.done $0x0  }
0xaa: {  	s25 =	simm.s32 $0x1B8E;
	s24 =	sld [smem:$0x3FFE];
	[sflag:s23] =	ssyncadd.s32 $0xFFFFFFFF  }
0xab: {  	s26 =	simm.s32 $execute0_lowered;
	[smem:$0x3FD2] =	sst s25  }
0xac: {  	s6 =	sshll.u32 s26, $0x1;
	_ =	strace $0x80000049;
	[dreg:$0x1] =	wrdreg $0xFFFFFFFF  }
0xad: {  	s28 =	simm.s32 $_size_execute0_lowered;
	s4 =	sadd.s32 s4, s6;
	[dreg:$0x0] =	wrdreg $0x0  }
0xae: {  	s6 =	sshll.u32 s28, $0x1;
	[dreg:$0x2] =	wrdreg s4  }
0xaf: {  	[dreg:$0x3] =	wrdreg s6  }
0xb0: {  	[dreg:$0x4] =	wrdreg $0xC0  }
0xb1: {  	_ =	task [dreg:s8], $0x5FFFF  }
0xb2: {  	[dreg:$0x1] =	wrdreg $0xFFFFFFFF  }
0xb3: {  	[dreg:$0x0] =	wrdreg $0x60  }
0xb4: {  	[dreg:$0x2] =	wrdreg s17  }
0xb5: {  	[dreg:$0x3] =	wrdreg s24  }
0xb6: {  	[dreg:$0x4] =	wrdreg s16  }
0xb7: {  	[dreg:$0x5] =	wrdreg $0xA8800  }
0xb8: {  	[dreg:$0x6] =	wrdreg $0x9  }
0xb9: {  	_ =	task.clear_ibuf [dreg:s8], $0x7FFFF;
	_ =	strace $0x90000049  }
0xba: {  	s29 =	simm.s32 $0x9;
	_ =	strace $0x8000004B  }
0xbb: {  	_ =	swait.ge [sflag:s29], $0x1  }
0xbc: {  	[sflag:s29] =	ssyncadd.s32 $0xFFFFFFFF  }
0xbd: {  	_ =	strace $0x9000004B  }
0xbe: {  	_ =	sfence  }
0xbf: {  	s30 =	sld [smem:$0x0];
	_ =	sdelay $0x2  }
0xc0: {  	s31 =	sshll.u32 s1, $0xD;
	s1 =	sshrl.u32 s1, $0x2  }
0xc1: {  	s3 =	sand.u32 $0x4000, s31;
	s1 =	sadd.s32 s1, s30  }
0xc2: {  	s0 =	sor.u32 s3, s0;
	s1 =	sshll.u32 s1, $0x11  }
0xc3: {  	s0 =	sor.u32 s1, s0  }
0xc4: {  	s0 =	sadd.s32 $0x8F2B, s0  }
0xc5: {  	[sflag:s0] =	ssyncadd.remote.s32 $0x1  }
0xc6: {  	_ =	sfence.sel $0xFFFF  }
0xc7: {  	[dreg:$0x0] =	wrdreg $0xFFFFFFFF;
	(pc) =	sbr.abs _section_cstart, $3  }
0xc8: {  	[dreg:$0x1] =	wrdreg $0xFFFFFFFF  }
0xc9: {  	_ =	task.clear_ibuf [dreg:s8], $0x2FFFF;
	_ =	strace $0x9FFFFFFF  }
0xca: {  	(tm) =	ssettm $0x7FFFFFFF  }
0xcb: {  	_ =	shalt  }
tec
execute0_lowered:
.L_overlay_start_1:
0x0: {  	(tag) =	ssettag $0x1  }
0x1: {  	s0 =	rddreg [dreg:$0x0]  }
0x2: {  	s1 =	srdreg.scid;
	s2 =	rddreg [dreg:$0x1]  }
0x3: {  	s11 =	stileid.u32;
	s4 =	rddreg [dreg:$0x3];
	s5 =	simm.s32 $0x0  }
0x4: {  	s28 =	simm.s32 $0x1380;
	s29 =	simm.s32 $0x80;
	s30 =	simm.s32 $0x1  }
0x5: {  	s31 =	simm.s32 $0x6880;
	s1 =	sand.u32 $0x1, s1;
	s8 =	smul.u32 $0x50000, s11  }
0x6: {  	[smem:$0x7FF] =	sst s5;
	s7 =	sadd.s32 $0x2800, s2;
	s10 =	smul.u32 $0x280, s11  }
0x7: {  	s20 =	smul.u32 $0x2800, s11;
	s3 =	sshll.u32 s1, $0x4;
	s12 =	ssub.s32 $0x2, s1  }
0x8: {  	_ =	strace $0x8000004A;
	p0 =	seq.s32 s1, $0x0;
	s3 =	sor.u32 s11, s3  }
0x9: {  	s9 =	sshrl.u32 s12, $0x1;
	s8 =	sshrl.u32 s8, $0x2;
	s19 =	sadd.s32 $0x80, s10  }
0xa: {  	s22 =	sadd.s32 $0x100, s10;
	s11 =	simm.s32 $0x2A800;
	s25 =	sadd.s32 $0x180, s10  }
0xb: {  	s10 =	sadd.s32 $0x200, s10;
	s6 =	smul.u32 $0x2710, s3;
	s3 =	ssub.s32 s12, s9  }
0xc: {  	s8 =	sadd.s32 s8, s4;
	s21 =	sshll.u32 s19, $0x7;
	s1 =	sshll.u32 s19, $0x4  }
0xd: {  	s23 =	sshll.u32 s22, $0x7;
	s24 =	sshll.u32 s22, $0x4;
	s11 =	simm.s32 @!p0 $0x52800  }
0xe: {  	s26 =	sshll.u32 s10, $0x7;
	s10 =	sshll.u32 s10, $0x4;
	s14 =	smax.u32 s3, $0x1  }
0xf: {  	s15 =	sadd.s32 $0x4000, s8;
	s16 =	sadd.s32 $0x8000, s8;
	[dreg:$0x7] =	wrdreg s14  }
0x10: {  	s17 =	sadd.s32 $0xC000, s8;
	s18 =	sadd.s32 $0x10000, s8;
	[dreg:$0x8] =	wrdreg s15  }
0x11: {  	s2 =	sadd.s32 s11, s2;
	s19 =	sadd.s32 s26, s4;
	[dreg:$0x9] =	wrdreg s16  }
0x12: {  	s26 =	simm.s32 $0x3;
	s3 =	simm.s32 $0x2780;
	[dreg:$0xa] =	wrdreg s17  }
0x13: {  	s11 =	simm.s32 $0x0;
	s13 =	sshrl.u32 s6, $0x3;
	[dreg:$0xb] =	wrdreg s18  }
0x14: {  	s17 =	sadd.s32 s23, s4;
	s20 =	sadd.s32 s2, s20;
	s9 =	sadd.s32 s0, s13  }
0x15: {  	s22 =	sadd.s32 s2, s24;
	s24 =	sadd.s32 s2, s10;
	s12 =	sadd.s32 $0x4E0, s9  }
0x16: {  	s13 =	sshll.u32 s25, $0x7;
	s9 =	sadd.s32 $0xA120, s9;
	[dreg:$0x5] =	wrdreg s12  }
0x17: {  	v6 =	vlaneseq.u32;
	s10 =	simm.s32 $0x4;
	s18 =	sadd.s32 s13, s4;
	[dreg:$0x6] =	wrdreg s9  }
0x18: {  	v0 =	vor.u32 $0x2720, v6;
	s9 =	sadd.s32 s21, s4;
	s12 =	sshll.u32 s25, $0x4;
	s21 =	sadd.s32 s2, s1  }
0x19: {  	v1 =	vor.u32 $0x2730, v6;
	v2 =	vor.u32 $0x2740, v6;
	v3 =	vor.u32 $0x2750, v6;
	s25 =	simm.s32 $0x2880;
	s1 =	simm.s32 $0x2;
	[dreg:$0xc] =	wrdreg s9  }
0x1a: {  	v4 =	vor.u32 $0x2760, v6;
	v5 =	vor.u32 $0x2770, v6;
	v6 =	vor.u32 $0x2780, v6;
	s23 =	sadd.s32 s2, s12;
	s2 =	simm.s32 $0x2700;
	s9 =	simm.s32 $0x2800  }
.LBB2_1:
0x1b: {  	s12 =	rddreg [dreg:$0x2]  }
0x1c: {  	[tilespmem:s25], [sflag:$0x3] =	stream.linear.gather [hbm4b:s12+s5], $0x4000, $0x38;
	[tilespmem:$0x1E880] =	vst v63  }
0x1d: {  	_ =	swait.ge [sflag:s26], $0x4000  }
0x1e: {  	[sflag:s26] =	ssyncset.done $0x0  }
0x1f: {  	[sflag:s26] =	ssyncadd.s32 $0xFFFFC000  }
0x20: {  	[spmem:s8] =	stream.linear.scatter [tilespmem:s25], [sflag:$0x3], $0x4000, $0x38;
	[tilespmem:$0x1E880] =	vst v63  }
0x21: {  	_ =	swait.ge [sflag:s26], $0x4000  }
0x22: {  	[sflag:s26] =	ssyncset.done $0x0  }
0x23: {  	s13 =	rddreg [dreg:$0x8];
	[sflag:s26] =	ssyncadd.s32 $0xFFFFC000  }
0x24: {  	[spmem:s13] =	stream.linear.scatter [tilespmem:s25], [sflag:$0x3], $0x4000, $0x38;
	[tilespmem:$0x1E880] =	vst v63  }
0x25: {  	_ =	swait.ge [sflag:s26], $0x4000  }
0x26: {  	[sflag:s26] =	ssyncset.done $0x0  }
0x27: {  	s14 =	rddreg [dreg:$0x9];
	[sflag:s26] =	ssyncadd.s32 $0xFFFFC000  }
0x28: {  	[spmem:s14] =	stream.linear.scatter [tilespmem:s25], [sflag:$0x3], $0x4000, $0x38;
	[tilespmem:$0x1E880] =	vst v63  }
0x29: {  	_ =	swait.ge [sflag:s26], $0x4000  }
0x2a: {  	[sflag:s26] =	ssyncset.done $0x0  }
0x2b: {  	s15 =	rddreg [dreg:$0xa];
	[sflag:s26] =	ssyncadd.s32 $0xFFFFC000  }
0x2c: {  	[spmem:s15] =	stream.linear.scatter [tilespmem:s25], [sflag:$0x3], $0x4000, $0x38;
	[tilespmem:$0x1E880] =	vst v63  }
0x2d: {  	_ =	swait.ge [sflag:s26], $0x4000  }
0x2e: {  	[sflag:s26] =	ssyncset.done $0x0  }
0x2f: {  	s16 =	rddreg [dreg:$0xb];
	[sflag:s26] =	ssyncadd.s32 $0xFFFFC000  }
0x30: {  	[spmem:s16] =	stream.linear.scatter [tilespmem:s25], [sflag:$0x3], $0x4000, $0x38;
	[tilespmem:$0x1E880] =	vst v63  }
0x31: {  	_ =	swait.ge [sflag:s26], $0x4000  }
0x32: {  	[sflag:s26] =	ssyncset.done $0x0  }
0x33: {  	[sflag:s26] =	ssyncadd.s32 $0xFFFFC000  }
0x34: {  	p2 =	por $0x1, $0x1;
	s12 =	simm.s32 $0x0;
	[bflag:$0x0] =	sbarrier.arrive $0xFFFF  }
.LBB2_2:
0x35: {  	s12 =	sadd.s32 s6, s12  }
0x36: {  	s12 =	sshrl.u32 s12, $0x3  }
0x37: {  	s13 =	simm.s32 $0x0;
	s12 =	sadd.s32 s0, s12  }
0x38: {  	[tilespmem:s13], [sflag:$0x3] =	stream.linear.gather [hbm4b:s12+s13], $0x1380, $0x38;
	[tilespmem:$0x1E880] =	vst v63  }
0x39: {  	_ =	swait.ge [sflag:s26], $0x1380  }
0x3a: {  	[sflag:s26] =	ssyncset.done $0x0  }
0x3b: {  	s12 =	sadd.s32 $0x9C40, s12;
	[sflag:s26] =	ssyncadd.s32 $0xFFFFEC80  }
0x3c: {  	[tilespmem:s28], [sflag:$0x3] =	stream.linear.gather [hbm4b:s12+s13], $0x1380, $0x38;
	[tilespmem:$0x1E880] =	vst v63  }
0x3d: {  	_ =	swait.ge [sflag:s26], $0x1380  }
0x3e: {  	[sflag:s26] =	ssyncset.done $0x0  }
0x3f: {  	[sflag:s26] =	ssyncadd.s32 $0xFFFFEC80  }
0x40: {  	v7 =	vld [tilespmem:$0x1380]  }
0x41: {  	v8 =	vld [tilespmem:$0x1390]  }
0x42: {  	v9 =	vld [tilespmem:$0x13A0]  }
0x43: {  	v10 =	vld [tilespmem:$0x13B0]  }
0x44: {  	v11 =	vld [tilespmem:$0x13C0]  }
0x45: {  	v63 =	vld [tilespmem:$0x13F0];
	[tilespmem:$0x2700] =	vst v7  }
0x46: {  	v7 =	vld [tilespmem:$0x13D0];
	[tilespmem:$0x2710] =	vst v8  }
0x47: {  	v8 =	vld [tilespmem:$0x13E0];
	[tilespmem:$0x2720] =	vst v9  }
0x48: {  	[tilespmem:$0x2730] =	vst v10  }
0x49: {  	[tilespmem:$0x2740] =	vst v11  }
0x4a: {  	[tilespmem:$0x2770] =	vst v63  }
0x4b: {  	[tilespmem:$0x2750] =	vst v7  }
0x4c: {  	[tilespmem:$0x2760] =	vst v8  }
0x4d: {  	[tilespmem:s25], [sflag:$0x1] =	stream.indirect.gather [hbm4b:s7+s29], $0x80, s13, s29, $0xb8;
	[tilespmem:$0x1E880] =	vst v63  }
0x4e: {  	_ =	swait.ge [sflag:s30], $0x4000  }
0x4f: {  	[sflag:s30] =	ssyncset.done $0x0  }
0x50: {  	s14 =	simm.s32 $0x0;
	s15 =	simm.s32 $0x80;
	[sflag:s30] =	ssyncadd.s32 $0xFFFFC000  }
0x51: {  	[tilespmem:s31], [sflag:$0x2] =	stream.indirect.gather [hbm4b:s7+s29], $0x80, s15, s29, $0xb8;
	[tilespmem:$0x1E880] =	vst v63  }
0x52: {  	v7 =	vld [tilespmem:s14+$0x1400];
	_ =	sdelay $0x4  }
0x53: {  	[tilespmem:$0x2780] =	vst v7  }
0x54: {  	v7 =	vld [tilespmem:s14+$0x1410];
	_ =	sdelay $0x4  }
0x55: {  	[tilespmem:$0x2790] =	vst v7  }
0x56: {  	v7 =	vld [tilespmem:s14+$0x1420];
	_ =	sdelay $0x4  }
0x57: {  	[tilespmem:$0x27A0] =	vst v7  }
0x58: {  	v7 =	vld [tilespmem:s14+$0x1430];
	_ =	sdelay $0x4  }
0x59: {  	[tilespmem:$0x27B0] =	vst v7  }
0x5a: {  	v7 =	vld [tilespmem:s14+$0x1440];
	_ =	sdelay $0x4  }
0x5b: {  	[tilespmem:$0x27C0] =	vst v7  }
0x5c: {  	v7 =	vld [tilespmem:s14+$0x1450];
	_ =	sdelay $0x4  }
0x5d: {  	[tilespmem:$0x27D0] =	vst v7  }
0x5e: {  	v7 =	vld [tilespmem:s14+$0x1460];
	_ =	sdelay $0x4  }
0x5f: {  	[tilespmem:$0x27E0] =	vst v7  }
0x60: {  	v7 =	vld [tilespmem:s14+$0x1470];
	_ =	sdelay $0x4  }
0x61: {  	[tilespmem:$0x27F0] =	vst v7  }
0x62: {  	[spmem:s4] =	stream.indirect.scatter.add.f32 [tilespmem:s25], [sflag:$0x3], $0x80, s2, s29, $0xb8;
	[tilespmem:$0x1E880] =	vst v63  }
0x63: {  	_ =	swait.ge [sflag:s26], $0x4000  }
0x64: {  	[sflag:s26] =	ssyncset.done $0x0  }
0x65: {  	[sflag:s26] =	ssyncadd.s32 $0xFFFFC000  }
0x66: {  	_ =	swait.ge [sflag:s1], $0x4000  }
0x67: {  	[sflag:s1] =	ssyncset.done $0x0  }
0x68: {  	s16 =	simm.s32 $0x100;
	[sflag:s1] =	ssyncadd.s32 $0xFFFFC000  }
0x69: {  	[tilespmem:s25], [sflag:$0x1] =	stream.indirect.gather [hbm4b:s7+s29], $0x80, s16, s29, $0xb8;
	[tilespmem:$0x1E880] =	vst v63  }
0x6a: {  	v7 =	vld [tilespmem:s14+$0x1480];
	_ =	sdelay $0x4  }
0x6b: {  	[tilespmem:$0x2700] =	vst v7  }
0x6c: {  	v7 =	vld [tilespmem:s14+$0x1490];
	_ =	sdelay $0x4  }
0x6d: {  	[tilespmem:$0x2710] =	vst v7  }
0x6e: {  	v7 =	vld [tilespmem:s14+$0x14A0];
	_ =	sdelay $0x4  }
0x6f: {  	[tilespmem:$0x2720] =	vst v7  }
0x70: {  	v7 =	vld [tilespmem:s14+$0x14B0];
	_ =	sdelay $0x4  }
0x71: {  	[tilespmem:$0x2730] =	vst v7  }
0x72: {  	v7 =	vld [tilespmem:s14+$0x14C0];
	_ =	sdelay $0x4  }
0x73: {  	[tilespmem:$0x2740] =	vst v7  }
0x74: {  	v7 =	vld [tilespmem:s14+$0x14D0];
	_ =	sdelay $0x4  }
0x75: {  	[tilespmem:$0x2750] =	vst v7  }
0x76: {  	v7 =	vld [tilespmem:s14+$0x14E0];
	_ =	sdelay $0x4  }
0x77: {  	[tilespmem:$0x2760] =	vst v7  }
0x78: {  	v7 =	vld [tilespmem:s14+$0x14F0];
	_ =	sdelay $0x4  }
0x79: {  	[tilespmem:$0x2770] =	vst v7  }
0x7a: {  	[spmem:s4] =	stream.indirect.scatter.add.f32 [tilespmem:s31], [sflag:$0x3], $0x80, s3, s29, $0xb8;
	[tilespmem:$0x1E880] =	vst v63  }
0x7b: {  	_ =	swait.ge [sflag:s26], $0x4000  }
0x7c: {  	[sflag:s26] =	ssyncset.done $0x0  }
0x7d: {  	[sflag:s26] =	ssyncadd.s32 $0xFFFFC000  }
0x7e: {  	p1 =	por p2, p2;
	_ =	swait.ge [sflag:s30], $0x4000  }
0x7f: {  	s12 =	simm.s32 $0x100;
	s13 =	simm.s32 $0x800;
	[sflag:s30] =	ssyncset.done $0x0  }
.LBB2_3:
0x80: {  	s16 =	sadd.s32 $0x80, s12  }
0x81: {  	[sflag:s30] =	ssyncadd.s32 $0xFFFFC000;
	s14 =	smov.u32 s13;
	s15 =	sadd.s32 $0x400, s13  }
0x82: {  	[tilespmem:s31], [sflag:$0x2] =	stream.indirect.gather [hbm4b:s7+s29], $0x80, s16, s29, $0xb8;
	[tilespmem:$0x1E880] =	vst v63  }
0x83: {  	p2 =	sne.s32 s13, $0x4800;
	v7 =	vld [tilespmem:s12+$0x1400];
	_ =	sdelay $0x4  }
0x84: {  	[tilespmem:$0x2780] =	vst v7  }
0x85: {  	v7 =	vld [tilespmem:s12+$0x1410];
	_ =	sdelay $0x4  }
0x86: {  	[tilespmem:$0x2790] =	vst v7  }
0x87: {  	v7 =	vld [tilespmem:s12+$0x1420];
	_ =	sdelay $0x4  }
0x88: {  	[tilespmem:$0x27A0] =	vst v7  }
0x89: {  	v7 =	vld [tilespmem:s12+$0x1430];
	_ =	sdelay $0x4  }
0x8a: {  	[tilespmem:$0x27B0] =	vst v7  }
0x8b: {  	v7 =	vld [tilespmem:s12+$0x1440];
	_ =	sdelay $0x4  }
0x8c: {  	[tilespmem:$0x27C0] =	vst v7  }
0x8d: {  	v7 =	vld [tilespmem:s12+$0x1450];
	_ =	sdelay $0x4  }
0x8e: {  	[tilespmem:$0x27D0] =	vst v7  }
0x8f: {  	v7 =	vld [tilespmem:s12+$0x1460];
	_ =	sdelay $0x4  }
0x90: {  	[tilespmem:$0x27E0] =	vst v7  }
0x91: {  	v7 =	vld [tilespmem:s12+$0x1470];
	_ =	sdelay $0x4  }
0x92: {  	[tilespmem:$0x27F0] =	vst v7  }
0x93: {  	[spmem:s4] =	stream.indirect.scatter.add.f32 [tilespmem:s25], [sflag:$0x3], $0x80, s2, s29, $0xb8;
	[tilespmem:$0x1E880] =	vst v63  }
0x94: {  	_ =	swait.ge [sflag:s26], $0x4000  }
0x95: {  	[sflag:s26] =	ssyncset.done $0x0  }
0x96: {  	[sflag:s26] =	ssyncadd.s32 $0xFFFFC000  }
0x97: {  	_ =	swait.ge [sflag:s1], $0x4000  }
0x98: {  	[sflag:s1] =	ssyncset.done $0x0  }
0x99: {  	s13 =	sadd.s32 $0x100, s12;
	[sflag:s1] =	ssyncadd.s32 $0xFFFFC000  }
0x9a: {  	[tilespmem:s25], [sflag:$0x1] =	stream.indirect.gather [hbm4b:s7+s29], $0x80, s13, s29, $0xb8;
	[tilespmem:$0x1E880] =	vst v63  }
0x9b: {  	v7 =	vld [tilespmem:s12+$0x1480];
	_ =	sdelay $0x4  }
0x9c: {  	[tilespmem:$0x2700] =	vst v7  }
0x9d: {  	v7 =	vld [tilespmem:s12+$0x1490];
	_ =	sdelay $0x4  }
0x9e: {  	[tilespmem:$0x2710] =	vst v7  }
0x9f: {  	v7 =	vld [tilespmem:s12+$0x14A0];
	_ =	sdelay $0x4  }
0xa0: {  	[tilespmem:$0x2720] =	vst v7  }
0xa1: {  	v7 =	vld [tilespmem:s12+$0x14B0];
	_ =	sdelay $0x4  }
0xa2: {  	[tilespmem:$0x2730] =	vst v7  }
0xa3: {  	v7 =	vld [tilespmem:s12+$0x14C0];
	_ =	sdelay $0x4  }
0xa4: {  	[tilespmem:$0x2740] =	vst v7  }
0xa5: {  	v7 =	vld [tilespmem:s12+$0x14D0];
	_ =	sdelay $0x4  }
0xa6: {  	[tilespmem:$0x2750] =	vst v7  }
0xa7: {  	v7 =	vld [tilespmem:s12+$0x14E0];
	_ =	sdelay $0x4  }
0xa8: {  	[tilespmem:$0x2760] =	vst v7  }
0xa9: {  	v7 =	vld [tilespmem:s12+$0x14F0];
	_ =	sdelay $0x4  }
0xaa: {  	[tilespmem:$0x2770] =	vst v7  }
0xab: {  	[spmem:s4] =	stream.indirect.scatter.add.f32 [tilespmem:s31], [sflag:$0x3], $0x80, s3, s29, $0xb8;
	[tilespmem:$0x1E880] =	vst v63  }
.Ltmp0:
0xac: {  	_ =	swait.ge [sflag:s26], $0x4000;
	(pc) =	sbr.rel @p2 .LBB2_3-.Ltmp0, $4  }
0xad: {  	[sflag:s26] =	ssyncset.done $0x0  }
0xae: {  	[sflag:s26] =	ssyncadd.s32 $0xFFFFC000  }
0xaf: {  	_ =	swait.ge [sflag:s30], $0x4000  }
0xb0: {  	s13 =	smov.u32 s15;
	s12 =	sshra.s32 s14, $0x2;
	[sflag:s30] =	ssyncset.done $0x0  }
0xb1: {  	s13 =	sadd.s32 $0x80, s12;
	[sflag:s30] =	ssyncadd.s32 $0xFFFFC000  }
0xb2: {  	[tilespmem:s31], [sflag:$0x2] =	stream.indirect.gather [hbm4b:s7+s29], $0x80, s13, s29, $0xb8;
	[tilespmem:$0x1E880] =	vst v63  }
0xb3: {  	v7 =	vld [tilespmem:s12+$0x1400];
	_ =	sdelay $0x4  }
0xb4: {  	[tilespmem:$0x2780] =	vst v7  }
0xb5: {  	v7 =	vld [tilespmem:s12+$0x1410];
	_ =	sdelay $0x4  }
0xb6: {  	[tilespmem:$0x2790] =	vst v7  }
0xb7: {  	v7 =	vld [tilespmem:s12+$0x1420];
	_ =	sdelay $0x4  }
0xb8: {  	[tilespmem:$0x27A0] =	vst v7  }
0xb9: {  	v7 =	vld [tilespmem:s12+$0x1430];
	_ =	sdelay $0x4  }
0xba: {  	[tilespmem:$0x27B0] =	vst v7  }
0xbb: {  	v7 =	vld [tilespmem:s12+$0x1440];
	_ =	sdelay $0x4  }
0xbc: {  	[tilespmem:$0x27C0] =	vst v7  }
0xbd: {  	v7 =	vld [tilespmem:s12+$0x1450];
	_ =	sdelay $0x4  }
0xbe: {  	[tilespmem:$0x27D0] =	vst v7  }
0xbf: {  	v7 =	vld [tilespmem:s12+$0x1460];
	_ =	sdelay $0x4  }
0xc0: {  	[tilespmem:$0x27E0] =	vst v7  }
0xc1: {  	v7 =	vld [tilespmem:s12+$0x1470];
	_ =	sdelay $0x4  }
0xc2: {  	[tilespmem:$0x27F0] =	vst v7  }
0xc3: {  	[spmem:s4] =	stream.indirect.scatter.add.f32 [tilespmem:s25], [sflag:$0x3], $0x80, s2, s29, $0xb8;
	[tilespmem:$0x1E880] =	vst v63  }
0xc4: {  	_ =	swait.ge [sflag:s26], $0x4000  }
0xc5: {  	[sflag:s26] =	ssyncset.done $0x0  }
0xc6: {  	[sflag:s26] =	ssyncadd.s32 $0xFFFFC000  }
0xc7: {  	_ =	swait.ge [sflag:s1], $0x4000  }
0xc8: {  	[sflag:s1] =	ssyncset.done $0x0  }
0xc9: {  	s16 =	sadd.s32 $0x100, s12;
	[sflag:s1] =	ssyncadd.s32 $0xFFFFC000  }
0xca: {  	[tilespmem:s25], [sflag:$0x1] =	stream.indirect.gather [hbm4b:s7+s29], $0x80, s16, s29, $0xb8;
	[tilespmem:$0x1E880] =	vst v63  }
0xcb: {  	v7 =	vld [tilespmem:s12+$0x1480];
	_ =	sdelay $0x4  }
0xcc: {  	[tilespmem:$0x2700] =	vst v7  }
0xcd: {  	v7 =	vld [tilespmem:s12+$0x1490];
	_ =	sdelay $0x4  }
0xce: {  	[tilespmem:$0x2710] =	vst v7  }
0xcf: {  	v7 =	vld [tilespmem:s12+$0x14A0];
	_ =	sdelay $0x4  }
0xd0: {  	[tilespmem:$0x2720] =	vst v7  }
0xd1: {  	v7 =	vld [tilespmem:s12+$0x14B0];
	_ =	sdelay $0x4  }
0xd2: {  	[tilespmem:$0x2730] =	vst v7  }
0xd3: {  	v7 =	vld [tilespmem:s12+$0x14C0];
	_ =	sdelay $0x4  }
0xd4: {  	[tilespmem:$0x2740] =	vst v7  }
0xd5: {  	v7 =	vld [tilespmem:s12+$0x14D0];
	_ =	sdelay $0x4  }
0xd6: {  	[tilespmem:$0x2750] =	vst v7  }
0xd7: {  	v7 =	vld [tilespmem:s12+$0x14E0];
	_ =	sdelay $0x4  }
0xd8: {  	[tilespmem:$0x2760] =	vst v7  }
0xd9: {  	v7 =	vld [tilespmem:s12+$0x14F0];
	_ =	sdelay $0x4  }
0xda: {  	[tilespmem:$0x2770] =	vst v7  }
0xdb: {  	[spmem:s4] =	stream.indirect.scatter.add.f32 [tilespmem:s31], [sflag:$0x3], $0x80, s3, s29, $0xb8;
	[tilespmem:$0x1E880] =	vst v63  }
0xdc: {  	_ =	swait.ge [sflag:s26], $0x4000  }
0xdd: {  	[sflag:s26] =	ssyncset.done $0x0  }
0xde: {  	[sflag:s26] =	ssyncadd.s32 $0xFFFFC000  }
0xdf: {  	_ =	swait.ge [sflag:s30], $0x4000  }
0xe0: {  	[sflag:s30] =	ssyncset.done $0x0  }
0xe1: {  	[sflag:s30] =	ssyncadd.s32 $0xFFFFC000  }
0xe2: {  	v7 =	vld [tilespmem:$0x2680]  }
0xe3: {  	v8 =	vld [tilespmem:$0x2690]  }
0xe4: {  	v9 =	vld [tilespmem:$0x26A0]  }
0xe5: {  	v10 =	vld [tilespmem:$0x26B0]  }
0xe6: {  	v11 =	vld [tilespmem:$0x26C0]  }
0xe7: {  	v63 =	vld [tilespmem:$0x26F0];
	[tilespmem:$0x2700] =	vst v7  }
0xe8: {  	v7 =	vld [tilespmem:$0x26D0];
	[tilespmem:$0x2710] =	vst v8  }
0xe9: {  	v8 =	vld [tilespmem:$0x26E0];
	[tilespmem:$0x2720] =	vst v9  }
0xea: {  	[tilespmem:$0x2730] =	vst v10  }
0xeb: {  	[tilespmem:$0x2740] =	vst v11  }
0xec: {  	[tilespmem:$0x2770] =	vst v63  }
0xed: {  	[tilespmem:$0x2750] =	vst v7  }
.Ltmp1:
0xee: {  	[tilespmem:$0x2760] =	vst v8;
	(pc) =	sbr.rel @p1 .LBB2_2-.Ltmp1, $4  }
0xef: {  	[spmem:s4] =	stream.indirect.scatter.add.f32 [tilespmem:s25], [sflag:$0x3], $0x80, s2, s29, $0xb8;
	[tilespmem:$0x1E880] =	vst v63  }
0xf0: {  	_ =	swait.ge [sflag:s26], $0x4000  }
0xf1: {  	[sflag:s26] =	ssyncset.done $0x0  }
0xf2: {  	p2 =	por $0x0, $0x0;
	s12 =	simm.s32 $0x1380;
	[sflag:s26] =	ssyncadd.s32 $0xFFFFC000  }
0xf3: {  	s12 =	rddreg [dreg:$0x5]  }
0xf4: {  	[tilespmem:s9], [sflag:$0x3] =	stream.linear.gather [hbm4b:s12+s5], $0x10, $0x38;
	[tilespmem:$0x1E880] =	vst v63  }
0xf5: {  	_ =	swait.ge [sflag:s26], $0x10  }
0xf6: {  	[sflag:s26] =	ssyncset.done $0x0  }
0xf7: {  	s15 =	rddreg [dreg:$0x6];
	[sflag:s26] =	ssyncadd.s32 $0xFFFFFFF0  }
0xf8: {  	[tilespmem:s28], [sflag:$0x3] =	stream.linear.gather [hbm4b:s15+s5], $0x10, $0x38;
	[tilespmem:$0x1E880] =	vst v63  }
0xf9: {  	_ =	swait.ge [sflag:s26], $0x10  }
0xfa: {  	[sflag:s26] =	ssyncset.done $0x0  }
0xfb: {  	[sflag:s26] =	ssyncadd.s32 $0xFFFFFFF0  }
0xfc: {  	v7 =	vld [tilespmem:$0x1380]  }
0xfd: {  	[tilespmem:$0x2710] =	vst v0  }
0xfe: {  	[tilespmem:$0x2720] =	vst v1  }
0xff: {  	[tilespmem:$0x2730] =	vst v2  }
0x100: {  	v8 =	vld [tilespmem:$0x10];
	[tilespmem:$0x2740] =	vst v3  }
0x101: {  	[tilespmem:$0x2700] =	vst v7;
	v7 =	vld [tilespmem:$0x50]  }
0x102: {  	v9 =	vld [tilespmem:$0x20];
	[tilespmem:$0x2750] =	vst v4  }
0x103: {  	v10 =	vld [tilespmem:$0x30];
	[tilespmem:$0x2760] =	vst v5  }
0x104: {  	v11 =	vld [tilespmem:$0x40];
	[tilespmem:$0x2770] =	vst v6  }
0x105: {  	[tilespmem:$0x2810] =	vst v8;
	v8 =	vld [tilespmem:$0x60]  }
0x106: {  	[tilespmem:$0x2850] =	vst v7;
	v7 =	vld [tilespmem:$0x70]  }
0x107: {  	[tilespmem:$0x2820] =	vst v9  }
0x108: {  	[tilespmem:$0x2830] =	vst v10  }
0x109: {  	[tilespmem:$0x2840] =	vst v11  }
0x10a: {  	[tilespmem:$0x2860] =	vst v8  }
0x10b: {  	[tilespmem:$0x2870] =	vst v7  }
0x10c: {  	[tilespmem:s25], [sflag:$0x3] =	stream.indirect.gather [hbm4b:s7+s29], $0x80, s9, s29, $0xb8;
	[tilespmem:$0x1E880] =	vst v63  }
0x10d: {  	_ =	swait.ge [sflag:s26], $0x4000  }
0x10e: {  	[sflag:s26] =	ssyncset.done $0x0  }
0x10f: {  	[sflag:s26] =	ssyncadd.s32 $0xFFFFC000  }
0x110: {  	[spmem:s4] =	stream.indirect.scatter.add.f32 [tilespmem:s25], [sflag:$0x3], $0x80, s2, s29, $0xb8;
	[tilespmem:$0x1E880] =	vst v63  }
0x111: {  	_ =	swait.ge [sflag:s26], $0x4000  }
0x112: {  	[sflag:s26] =	ssyncset.done $0x0  }
0x113: {  	[sflag:s26] =	ssyncadd.s32 $0xFFFFC000  }
0x114: {  	[bflag:$0x0] =	sbarrier.arrive $0xFFFF  }
0x115: {  	[tilespmem:s25], [sflag:$0x4] =	stream.linear.gather [spmem:s8], $0x4000, $0x38;
	[tilespmem:$0x1E880] =	vst v63  }
0x116: {  	_ =	swait.ge [sflag:s10], $0x4000  }
0x117: {  	s12 =	simm.s32 $0x4;
	[sflag:s10] =	ssyncset.done $0x0  }
0x118: {  	s12 =	simm.s32 @!p0 $0x3;
	[sflag:s10] =	ssyncadd.s32 $0xFFFFC000  }
0x119: {  	[hbm4b:s20+s5] =	stream.linear.scatter [tilespmem:s25], [sflag:s12], $0x4000, $0x38;
	[tilespmem:$0x1E880] =	vst v63  }
0x11a: {  	_ =	swait.ge [sflag:s12], $0x4000  }
0x11b: {  	[sflag:s12] =	ssyncset.done $0x0  }
0x11c: {  	s13 =	rddreg [dreg:$0xc];
	[sflag:s12] =	ssyncadd.s32 $0xFFFFC000  }
0x11d: {  	[tilespmem:s25], [sflag:$0x4] =	stream.linear.gather [spmem:s13], $0x4000, $0x38;
	[tilespmem:$0x1E880] =	vst v63  }
0x11e: {  	_ =	swait.ge [sflag:s10], $0x4000  }
0x11f: {  	[sflag:s10] =	ssyncset.done $0x0  }
0x120: {  	[sflag:s10] =	ssyncadd.s32 $0xFFFFC000  }
0x121: {  	[hbm4b:s21+s5] =	stream.linear.scatter [tilespmem:s25], [sflag:s12], $0x4000, $0x38;
	[tilespmem:$0x1E880] =	vst v63  }
0x122: {  	_ =	swait.ge [sflag:s12], $0x4000  }
0x123: {  	[sflag:s12] =	ssyncset.done $0x0  }
0x124: {  	[sflag:s12] =	ssyncadd.s32 $0xFFFFC000  }
0x125: {  	[tilespmem:s25], [sflag:$0x4] =	stream.linear.gather [spmem:s17], $0x4000, $0x38;
	[tilespmem:$0x1E880] =	vst v63  }
0x126: {  	_ =	swait.ge [sflag:s10], $0x4000  }
0x127: {  	[sflag:s10] =	ssyncset.done $0x0  }
0x128: {  	[sflag:s10] =	ssyncadd.s32 $0xFFFFC000  }
0x129: {  	[hbm4b:s22+s5] =	stream.linear.scatter [tilespmem:s25], [sflag:s12], $0x4000, $0x38;
	[tilespmem:$0x1E880] =	vst v63  }
0x12a: {  	_ =	swait.ge [sflag:s12], $0x4000  }
0x12b: {  	[sflag:s12] =	ssyncset.done $0x0  }
0x12c: {  	[sflag:s12] =	ssyncadd.s32 $0xFFFFC000  }
0x12d: {  	[tilespmem:s25], [sflag:$0x4] =	stream.linear.gather [spmem:s18], $0x4000, $0x38;
	[tilespmem:$0x1E880] =	vst v63  }
0x12e: {  	_ =	swait.ge [sflag:s10], $0x4000  }
0x12f: {  	[sflag:s10] =	ssyncset.done $0x0  }
0x130: {  	[sflag:s10] =	ssyncadd.s32 $0xFFFFC000  }
0x131: {  	[hbm4b:s23+s5] =	stream.linear.scatter [tilespmem:s25], [sflag:s12], $0x4000, $0x38;
	[tilespmem:$0x1E880] =	vst v63  }
0x132: {  	_ =	swait.ge [sflag:s12], $0x4000  }
0x133: {  	[sflag:s12] =	ssyncset.done $0x0  }
0x134: {  	[sflag:s12] =	ssyncadd.s32 $0xFFFFC000  }
0x135: {  	[tilespmem:s25], [sflag:$0x4] =	stream.linear.gather [spmem:s19], $0x4000, $0x38;
	[tilespmem:$0x1E880] =	vst v63  }
0x136: {  	_ =	swait.ge [sflag:s10], $0x4000  }
0x137: {  	[sflag:s10] =	ssyncset.done $0x0  }
0x138: {  	[sflag:s10] =	ssyncadd.s32 $0xFFFFC000  }
0x139: {  	[hbm4b:s24+s5] =	stream.linear.scatter [tilespmem:s25], [sflag:s12], $0x4000, $0x38;
	[tilespmem:$0x1E880] =	vst v63  }
0x13a: {  	_ =	swait.ge [sflag:s12], $0x4000  }
0x13b: {  	s11 =	sadd.s32 $0x1, s11;
	s16 =	rddreg [dreg:$0x7]  }
0x13c: {  	p1 =	sne.s32 s11, s16  }
.Ltmp2:
0x13d: {  	_ = 	snop;
	(pc) =	sbr.rel @p1 .LBB2_1-.Ltmp2, $3  }
0x13e: {  	_ =	sdelay $0x1  }
0x13f: {  	[sflag:s12] =	ssyncset.done $0x0  }
0x140: {  	[sflag:s12] =	ssyncadd.s32 $0xFFFFC000  }
0x141: {  	_ =	sfence.sel $0x180000  }
0x142: {  	[bflag:$0x0] =	sbarrier.arrive $0xFFFF  }
0x143: {  	_ =	strace $0x9000004A  }
0x144: {  	s0 =	stileid.u32;
	[bflag:$0x2] =	sbarrier.arrive $0xFFFF  }
0x145: {  	p0 =	sne.s32 s0, $0x0;
	s0 =	rddreg [dreg:$0x4]  }
0x146: {  	s0 =	sadd.s32 @!p0 $0x100000, s0  }
0x147: {  	[sflag:s0] =	ssyncadd.tile.s32 @!p0 $0x1;
	_ =	shalt  }
.Lfunc_end2:
_tile_overlayer_lowered:
.L_overlay_start_2:
0x148: {  	(tag) =	ssettag $0x2  }
0x149: {  	s0 =	rddreg [dreg:$0x0];
	s2 =	stileid.u32  }
0x14a: {  	s1 =	rddreg [dreg:$0x1];
	p0 =	sne.s32 s2, $0x0  }
0x14b: {  	s3 =	rddreg [dreg:$0x2];
	[bflag:$0x3] =	sbarrier.arrive $0xFFFF;
	s2 =	simm.s32 @!p0 $0x1C03  }
0x14c: {  	[timem:s3], [sflag:s2] =	dma.local @!p0 [hbm:s0], s1  }
0x14d: {  	s0 =	simm.s32 @!p0 $0x3  }
0x14e: {  	_ =	swait.ge @!p0 [sflag:s0], s1  }
0x14f: {  	s1 =	ssub.s32 @!p0 $0x0, s1;
	[sflag:s0] =	ssyncset.done @!p0 $0x0  }
0x150: {  	[sflag:s0] =	ssyncadd.s32 @!p0 s1  }
0x151: {  	[bflag:$0x3] =	sbarrier.arrive $0xFFFF  }
0x152: {  	_ =	shalt  }

// kernel: kernel.7.cloned.1.call-start
scs
__scs_entry_jumppad:
0x0: {  	(pc) =	sbr.rel $0x88, $3  }
0x1: {  	(tag) =	ssettag $0x0;
	lr =	simm.s32 $0x1  }
0x2: {  	[smem:$0x3F9A] =	sst lr;
	_ =	strace $0xD0000000  }
0x3: {  	_ = 	snop  }
0x4: {  	_ = 	snop  }
0x5: {  	_ = 	snop  }
0x6: {  	_ = 	snop  }
0x7: {  	_ = 	snop  }
__scs_overlays_trampoline_lowered:
0x8: {  	[smem:$0x3FA9] =	sst s0  }
0x9: {  	[smem:$0x3FAA] =	sst s1  }
0xa: {  	[smem:$0x3FAB] =	sst s2  }
0xb: {  	[smem:$0x3FAC] =	sst s3  }
0xc: {  	[smem:$0x3FAD] =	sst s4  }
0xd: {  	[smem:$0x3FAE] =	sst s5  }
0xe: {  	[smem:$0x3FAF] =	sst s6  }
0xf: {  	[smem:$0x3FB0] =	sst s7  }
0x10: {  	[smem:$0x3FB1] =	sst s8  }
0x11: {  	[smem:$0x3FB2] =	sst s9;
	s0 =	simm.s32 @!p0 $0x0  }
0x12: {  	s1 =	sld [smem:$0x3F98];
	s0 =	simm.s32 @p0 $0x1  }
0x13: {  	[smem:$0x3FB3] =	sst s0;
	s0 =	simm.s32 @!p1 $0x0  }
0x14: {  	s2 =	sld [smem:$0x3F97];
	s0 =	simm.s32 @p1 $0x1  }
0x15: {  	[smem:$0x3FB4] =	sst s0;
	s0 =	simm.s32 @!p2 $0x0  }
0x16: {  	s3 =	sld [smem:$0x3FDB];
	s0 =	simm.s32 @p2 $0x1  }
0x17: {  	s4 =	simm.s32 $0x1BF5;
	[smem:$0x3FB6] =	sst s0  }
0x18: {  	s0 =	sld [smem:$0x3F99];
	_ =	swait.ge [sflag:s4], $0x0  }
0x19: {  	s7 =	sld [smem:$0x3F9A]  }
0x1a: {  	s8 =	sadd.s32 $0xFFFFE003, lr  }
0x1b: {  	s9 =	sadd.s32 $0xFFFFFEF7, lr;
	s5 =	simm.s32 $0xFFFFFFFF;
	p2 =	slt.u32 s8, $0xFFFFF086  }
0x1c: {  	p1 =	slt.u32 s9, $0xF7A;
	s5 =	simm.s32 @!p2 $0x0  }
0x1d: {  	s5 =	simm.s32 @p1 $0x1;
	p0 =	seq.s32 s7, s2  }
0x1e: {  	s7 =	smul.u32 @!p0 $0xF7A, s2;
	p2 =	seq.s32 @!p0 s5, $0x0  }
0x1f: {  	s9 =	smul.u32 $0xF7A, s1;
	s8 =	simm.s32 @!p0 $0x1BF5;
	p2 =	por !p2, p0  }
0x20: {  	[sflag:s8] =	ssyncset.s32 @!p0 $0xFFFFF086;
	s6 =	sadd.s32 @!p0 s3, s7;
	s7 =	simm.s32 @!p0 $0x108  }
0x21: {  	s3 =	sadd.s32 s3, s9;
	s6 =	sadd.s32 @!p0 $0x88, s6;
	s7 =	simm.s32 @p2 $0x1082  }
0x22: {  	[simem:s7], [sflag:s8] =	dma.local @!p0 [hbm:s6], $0xF7A  }
0x23: {  	s9 =	sor.u32 $0xD0000000, s2;
	s6 =	simm.s32 $0x108;
	_ =	swait.ge @!p0 [sflag:s8], $0x0  }
0x24: {  	s3 =	sadd.s32 $0x88, s3;
	s6 =	simm.s32 @!p1 $0x1082;
	[sflag:s4] =	ssyncset.s32 $0xFFFFF086  }
0x25: {  	[simem:s6], [sflag:s4] =	dma.local [hbm:s3], $0xF7A  }
0x26: {  	[smem:$0x3F9A] =	sst s1;
	(tag) =	ssettag s2;
	_ =	strace s9  }
0x27: {  	s1 =	sld [smem:$0x3FAA]  }
0x28: {  	s2 =	sld [smem:$0x3FAB]  }
0x29: {  	s4 =	sld [smem:$0x3FAD]  }
0x2a: {  	p0 =	seq.s32 s5, $0x0;
	s5 =	sld [smem:$0x3FAE]  }
0x2b: {  	s6 =	sld [smem:$0x3FAF]  }
0x2c: {  	s7 =	sld [smem:$0x3FB0]  }
0x2d: {  	s3 =	simm.s32 $0x108;
	s8 =	sld [smem:$0x3FB1]  }
0x2e: {  	s3 =	simm.s32 @!p0 $0x1082;
	s9 =	sld [smem:$0x3FB2]  }
0x2f: {  	lr =	sadd.s32 s0, s3;
	s0 =	sld [smem:$0x3FA9]  }
0x30: {  	s3 =	sld [smem:$0x3FAC]  }
0x31: {  	[smem:$0x3FB5] =	sst s10  }
0x32: {  	s10 =	sld [smem:$0x3FB3];
	_ =	sdelay $0x3  }
0x33: {  	p0 =	seq.s32 s10, $0x1;
	s10 =	sld [smem:$0x3FB5];
	_ =	sdelay $0x3  }
0x34: {  	[smem:$0x3FB5] =	sst s10  }
0x35: {  	s10 =	sld [smem:$0x3FB4];
	_ =	sdelay $0x3  }
0x36: {  	p1 =	seq.s32 s10, $0x1;
	s10 =	sld [smem:$0x3FB5];
	_ =	sdelay $0x3  }
0x37: {  	[smem:$0x3FB5] =	sst s10  }
0x38: {  	s10 =	sld [smem:$0x3FB6]  }
0x39: {  	_ = 	snop;
	(pc) =	sbr.ind lr, $3  }
0x3a: {  	_ = 	snop  }
0x3b: {  	_ = 	snop  }
0x3c: {  	p2 =	seq.s32 s10, $0x1;
	s10 =	sld [smem:$0x3FB5]  }
0x3d: {  	_ =	shalt  }
0x3e: {  	_ =	shalt  }
0x3f: {  	_ =	shalt  }
0x40: {  	_ =	shalt  }
0x41: {  	_ =	shalt  }
0x42: {  	_ =	shalt  }
0x43: {  	_ =	shalt  }
0x44: {  	_ =	shalt  }
0x45: {  	_ =	shalt  }
0x46: {  	_ =	shalt  }
0x47: {  	_ =	shalt  }
0x48: {  	_ =	shalt  }
0x49: {  	_ =	shalt  }
0x4a: {  	_ =	shalt  }
0x4b: {  	_ =	shalt  }
0x4c: {  	_ =	shalt  }
0x4d: {  	_ =	shalt  }
0x4e: {  	_ =	shalt  }
0x4f: {  	_ =	shalt  }
0x50: {  	_ =	shalt  }
0x51: {  	_ =	shalt  }
0x52: {  	_ =	shalt  }
0x53: {  	_ =	shalt  }
0x54: {  	_ =	shalt  }
0x55: {  	_ =	shalt  }
0x56: {  	_ =	shalt  }
0x57: {  	_ =	shalt  }
0x58: {  	_ =	shalt  }
0x59: {  	_ =	shalt  }
0x5a: {  	_ =	shalt  }
0x5b: {  	_ =	shalt  }
0x5c: {  	_ =	shalt  }
0x5d: {  	_ =	shalt  }
0x5e: {  	_ =	shalt  }
0x5f: {  	_ =	shalt  }
0x60: {  	_ =	shalt  }
0x61: {  	_ =	shalt  }
0x62: {  	_ =	shalt  }
0x63: {  	_ =	shalt  }
0x64: {  	_ =	shalt  }
0x65: {  	_ =	shalt  }
0x66: {  	_ =	shalt  }
0x67: {  	_ =	shalt  }
0x68: {  	_ =	shalt  }
0x69: {  	_ =	shalt  }
0x6a: {  	_ =	shalt  }
0x6b: {  	_ =	shalt  }
0x6c: {  	_ =	shalt  }
0x6d: {  	_ =	shalt  }
0x6e: {  	_ =	shalt  }
0x6f: {  	_ =	shalt  }
0x70: {  	_ =	shalt  }
0x71: {  	_ =	shalt  }
0x72: {  	_ =	shalt  }
0x73: {  	_ =	shalt  }
0x74: {  	_ =	shalt  }
0x75: {  	_ =	shalt  }
0x76: {  	_ =	shalt  }
0x77: {  	_ =	shalt  }
0x78: {  	_ =	shalt  }
0x79: {  	_ =	shalt  }
0x7a: {  	_ =	shalt  }
0x7b: {  	_ =	shalt  }
0x7c: {  	_ =	shalt  }
0x7d: {  	_ =	shalt  }
0x7e: {  	_ =	shalt  }
0x7f: {  	_ =	shalt  }
0x80: {  	_ =	shalt  }
0x81: {  	_ =	shalt  }
0x82: {  	_ =	shalt  }
0x83: {  	_ =	shalt  }
0x84: {  	_ =	shalt  }
0x85: {  	_ =	shalt  }
0x86: {  	_ =	shalt  }
0x87: {  	_ =	shalt  }
.Lfunc_end0:
.L_simem_size_0:
called_computation_lowered:
.L_overlay_start_0:
0x88: {  	s2 =	sld [smem:$0x3FD9]  }
0x89: {  	s3 =	sld [smem:$0x3FFE];
	_ =	sdelay $0x1  }
0x8a: {  	s1 =	srdreg.scid  }
0x8b: {  	s0 =	sand.u32 $0x1, s1  }
0x8c: {  	s14 =	sshll.u32 s0, $0xA;
	s2 =	sadd.s32 s3, s2  }
0x8d: {  	s2 =	sadd.s32 s2, s14  }
0x8e: {  	[smem:$0x3FC1] =	sst s2  }
0x8f: {  	_ = 	snop  }
0x90: {  	s2 =	sld [smem:$0x3FD0];
	_ =	sdelay $0x2  }
0x91: {  	s15 =	simm.s32 $0xA;
	s4 =	simm.s32 $0x10  }
0x92: {  	[smem:s4], [sflag:s15] =	dma.local [hbm:s2], $0x1  }
0x93: {  	_ =	swait.eq [sflag:s15], $0x1  }
0x94: {  	[sflag:s15] =	ssyncset.done $0x0  }
0x95: {  	s16 =	sld [smem:$0x10];
	[sflag:s15] =	ssyncadd.s32 $0xFFFFFFFF  }
0x96: {  	s17 =	sld [smem:$0x11];
	(tm) =	ssettm $0x1  }
0x97: {  	s18 =	sld [smem:$0x3FFB];
	_ =	sdelay $0x3  }
0x98: {  	_ =	strace s18  }
0x99: {  	s4 =	sld [smem:$0x3FFC];
	_ =	sdelay $0x3  }
0x9a: {  	_ =	strace s4  }
0x9b: {  	s4 =	sld [smem:$0x3FFD];
	_ =	sdelay $0x3  }
0x9c: {  	_ =	strace s4  }
0x9d: {  	_ =	strace $0x8FFFFFFF  }
0x9e: {  	s19 =	sld [smem:$0x3FDB];
	_ =	sdelay $0x1  }
0x9f: {  	s5 =	simm.s32 $_scs_section_size  }
0xa0: {  	s6 =	simm.s32 $_size__tile_overlayer_lowered;
	s7 =	simm.s32 $_tile_overlayer_lowered  }
0xa1: {  	s22 =	simm.s32 $0x1BFF;
	s21 =	sshll.u32 s7, $0x1;
	s4 =	sadd.s32 s5, s19  }
0xa2: {  	s8 =	simm.s32 $0x0;
	s20 =	sshll.u32 s6, $0x1;
	s6 =	sadd.s32 s21, s4  }
0xa3: {  	[timem:s8], [sflag:s22] =	dma.local [hbm:s6], s20  }
0xa4: {  	_ =	swait.ge [sflag:s22], s20  }
0xa5: {  	s5 =	ssub.s32 $0x0, s20;
	[sflag:s22] =	ssyncset.done $0x0  }
0xa6: {  	[sflag:s22] =	ssyncadd.s32 s5;
	_ =	sdelay $0x1  }
0xa7: {  	s23 =	simm.s32 $0x1B8B  }
0xa8: {  	_ =	swait.ge [sflag:s23], $0x1  }
0xa9: {  	[sflag:s23] =	ssyncset.done $0x0  }
0xaa: {  	s25 =	simm.s32 $0x1B8E;
	s24 =	sld [smem:$0x3FFE];
	[sflag:s23] =	ssyncadd.s32 $0xFFFFFFFF  }
0xab: {  	s26 =	simm.s32 $execute0_lowered;
	[smem:$0x3FD2] =	sst s25  }
0xac: {  	s6 =	sshll.u32 s26, $0x1;
	_ =	strace $0x80000046;
	[dreg:$0x1] =	wrdreg $0xFFFFFFFF  }
0xad: {  	s28 =	simm.s32 $_size_execute0_lowered;
	s4 =	sadd.s32 s4, s6;
	[dreg:$0x0] =	wrdreg $0x0  }
0xae: {  	s6 =	sshll.u32 s28, $0x1;
	[dreg:$0x2] =	wrdreg s4  }
0xaf: {  	[dreg:$0x3] =	wrdreg s6  }
0xb0: {  	[dreg:$0x4] =	wrdreg $0xC0  }
0xb1: {  	_ =	task [dreg:s8], $0x5FFFF  }
0xb2: {  	[dreg:$0x1] =	wrdreg $0xFFFFFFFF  }
0xb3: {  	[dreg:$0x0] =	wrdreg $0x60  }
0xb4: {  	[dreg:$0x2] =	wrdreg s17  }
0xb5: {  	[dreg:$0x3] =	wrdreg s24  }
0xb6: {  	[dreg:$0x4] =	wrdreg s16  }
0xb7: {  	[dreg:$0x5] =	wrdreg $0x52800  }
0xb8: {  	[dreg:$0x6] =	wrdreg $0x9  }
0xb9: {  	_ =	task.clear_ibuf [dreg:s8], $0x7FFFF;
	_ =	strace $0x90000046  }
0xba: {  	s29 =	simm.s32 $0x9;
	_ =	strace $0x80000048  }
0xbb: {  	_ =	swait.ge [sflag:s29], $0x1  }
0xbc: {  	[sflag:s29] =	ssyncadd.s32 $0xFFFFFFFF  }
0xbd: {  	_ =	strace $0x90000048  }
0xbe: {  	_ =	sfence  }
0xbf: {  	s30 =	sld [smem:$0x0];
	_ =	sdelay $0x2  }
0xc0: {  	s31 =	sshll.u32 s1, $0xD;
	s1 =	sshrl.u32 s1, $0x2  }
0xc1: {  	s3 =	sand.u32 $0x4000, s31;
	s1 =	sadd.s32 s1, s30  }
0xc2: {  	s0 =	sor.u32 s3, s0;
	s1 =	sshll.u32 s1, $0x11  }
0xc3: {  	s0 =	sor.u32 s1, s0  }
0xc4: {  	s0 =	sadd.s32 $0x8F2B, s0  }
0xc5: {  	[sflag:s0] =	ssyncadd.remote.s32 $0x1  }
0xc6: {  	_ =	sfence.sel $0xFFFF  }
0xc7: {  	[dreg:$0x0] =	wrdreg $0xFFFFFFFF;
	(pc) =	sbr.abs _section_cstart, $3  }
0xc8: {  	[dreg:$0x1] =	wrdreg $0xFFFFFFFF  }
0xc9: {  	_ =	task.clear_ibuf [dreg:s8], $0x2FFFF;
	_ =	strace $0x9FFFFFFF  }
0xca: {  	(tm) =	ssettm $0x7FFFFFFF  }
0xcb: {  	_ =	shalt  }
tec
execute0_lowered:
.L_overlay_start_1:
0x0: {  	(tag) =	ssettag $0x1  }
0x1: {  	s6 =	rddreg [dreg:$0x0]  }
0x2: {  	s5 =	rddreg [dreg:$0x1]  }
0x3: {  	s8 =	rddreg [dreg:$0x2]  }
0x4: {  	s0 =	srdreg.scid;
	s2 =	rddreg [dreg:$0x3]  }
0x5: {  	s1 =	stileid.u32;
	s3 =	simm.s32 $0x0;
	s13 =	simm.s32 $0x80  }
0x6: {  	s14 =	simm.s32 $0x1;
	s7 =	sand.u32 $0x1, s0;
	s0 =	rddreg [dreg:$0x4]  }
0x7: {  	s15 =	simm.s32 $0x0;
	s9 =	smul.u32 $0x280, s1;
	[smem:$0x7FF] =	sst s3  }
0x8: {  	s4 =	sshll.u32 s7, $0x4;
	s11 =	smul.u32 $0x2800, s7;
	s7 =	ssub.s32 $0x2, s7  }
0x9: {  	_ =	strace $0x80000047;
	s4 =	sor.u32 s1, s4;
	s12 =	sshrl.u32 s7, $0x1  }
0xa: {  	s10 =	smul.u32 $0x2710, s4;
	s4 =	sadd.s32 $0x2800, s5;
	s5 =	sadd.s32 $0x2A00, s5  }
0xb: {  	v6 =	vlaneseq.u32;
	s30 =	sadd.s32 s9, s11;
	s31 =	ssub.s32 s7, s12;
	s7 =	sadd.s32 s9, s2  }
0xc: {  	v0 =	vor.u32 $0x2720, v6;
	s11 =	simm.s32 $0x4F80;
	s12 =	simm.s32 $0x5000;
	s10 =	sshrl.u32 s10, $0x3  }
0xd: {  	v1 =	vor.u32 $0x2730, v6;
	v2 =	vor.u32 $0x2740, v6;
	v3 =	vor.u32 $0x2750, v6;
	s9 =	smax.u32 s31, $0x1;
	s6 =	sadd.s32 s6, s10;
	s10 =	sshrl.u32 s30, $0x3  }
0xe: {  	v4 =	vor.u32 $0x2760, v6;
	v5 =	vor.u32 $0x2770, v6;
	v6 =	vor.u32 $0x2780, v6;
	s6 =	sadd.s32 $0x9C40, s6;
	s8 =	sadd.s32 s8, s10;
	s10 =	simm.s32 $0x2  }
.LBB2_1:
0xf: {  	[tilespmem:s3], [sflag:$0x2] =	stream.linear.gather [hbm4b:s6+s3], $0x2710, $0x38;
	[tilespmem:$0x5500] =	vst v63  }
0x10: {  	_ =	swait.ge [sflag:s10], $0x2710  }
0x11: {  	[sflag:s10] =	ssyncset.done $0x0  }
0x12: {  	[sflag:s10] =	ssyncadd.s32 $0xFFFFD8F0  }
0x13: {  	[tilespmem:s11], [sflag:$0x2] =	stream.linear.gather [hbm4b:s4+s3], $0x80, $0x38;
	[tilespmem:$0x5500] =	vst v63  }
0x14: {  	_ =	swait.ge [sflag:s10], $0x80  }
0x15: {  	[sflag:s10] =	ssyncset.done $0x0  }
0x16: {  	[sflag:s10] =	ssyncadd.s32 $0xFFFFFF80  }
0x17: {  	[tilespmem:s12], [sflag:$0x2] =	stream.linear.gather [hbm4b:s5+s3], $0x280, $0x38;
	[tilespmem:$0x5500] =	vst v63  }
0x18: {  	_ =	swait.ge [sflag:s10], $0x280  }
0x19: {  	[sflag:s10] =	ssyncset.done $0x0  }
0x1a: {  	[sflag:s10] =	ssyncadd.s32 $0xFFFFFD80  }
0x1b: {  	[spmem:s7] =	stream.linear.scatter [tilespmem:s12], [sflag:$0x2], $0x280, $0x38;
	[tilespmem:$0x5500] =	vst v63  }
0x1c: {  	_ =	swait.ge [sflag:s10], $0x280  }
0x1d: {  	[sflag:s10] =	ssyncset.done $0x0  }
0x1e: {  	s16 =	simm.s32 $0x0;
	[sflag:s10] =	ssyncadd.s32 $0xFFFFFD80  }
0x1f: {  	v10 =	vld [tilespmem:s16+$0x70]  }
0x20: {  	v11 =	vld [tilespmem:s16+$0x0]  }
0x21: {  	v12 =	vld [tilespmem:s16+$0x10]  }
0x22: {  	v9 =	vld [tilespmem:s16+$0x20]  }
0x23: {  	v7 =	vld [tilespmem:s16+$0x30]  }
0x24: {  	v8 =	vld [tilespmem:s16+$0x40];
	[tilespmem:s16+$0x27F0] =	vst v10  }
0x25: {  	[tilespmem:s16+$0x2780] =	vst v11;
	v10 =	vld [tilespmem:s16+$0x50]  }
0x26: {  	s17 =	simm.s32 $0x80;
	s18 =	simm.s32 $0x400;
	[tilespmem:s16+$0x2790] =	vst v12;
	v11 =	vld [tilespmem:s16+$0x60]  }
.LBB2_2:
0x27: {  	p0 =	sne.s32 s18, $0x9A00;
	v12 =	vld [tilespmem:s17+$0x70];
	[tilespmem:s16+$0x27A0] =	vst v9  }
0x28: {  	v13 =	vld [tilespmem:s17+$0x0];
	[tilespmem:s16+$0x27B0] =	vst v7  }
0x29: {  	v14 =	vld [tilespmem:s17+$0x10];
	[tilespmem:s16+$0x27C0] =	vst v8  }
.Ltmp0:
0x2a: {  	v9 =	vld [tilespmem:s17+$0x20];
	[tilespmem:s16+$0x27D0] =	vst v10;
	(pc) =	sbr.rel @p0 .LBB2_2-.Ltmp0, $4  }
0x2b: {  	v7 =	vld [tilespmem:s17+$0x30];
	[tilespmem:s16+$0x27E0] =	vst v11;
	s16 =	smov.u32 s17  }
0x2c: {  	v8 =	vld [tilespmem:s16+$0x40];
	[tilespmem:s16+$0x27F0] =	vst v12  }
0x2d: {  	[tilespmem:s16+$0x2780] =	vst v13;
	v10 =	vld [tilespmem:s16+$0x50]  }
0x2e: {  	s17 =	sshra.s32 s18, $0x2;
	s18 =	sadd.s32 $0x200, s18;
	[tilespmem:s16+$0x2790] =	vst v14;
	v11 =	vld [tilespmem:s16+$0x60]  }
0x2f: {  	v12 =	vld [tilespmem:s17+$0x70];
	[tilespmem:s16+$0x27A0] =	vst v9  }
0x30: {  	v9 =	vld [tilespmem:s17+$0x0];
	[tilespmem:s16+$0x27B0] =	vst v7  }
0x31: {  	v7 =	vld [tilespmem:s17+$0x10];
	[tilespmem:s16+$0x27C0] =	vst v8  }
0x32: {  	v8 =	vld [tilespmem:s17+$0x20];
	[tilespmem:s16+$0x27D0] =	vst v10  }
0x33: {  	v10 =	vld [tilespmem:s17+$0x30];
	[tilespmem:s16+$0x27E0] =	vst v11  }
0x34: {  	v11 =	vld [tilespmem:s17+$0x40];
	[tilespmem:s17+$0x27F0] =	vst v12  }
0x35: {  	v63 =	vld [tilespmem:s17+$0x50];
	[tilespmem:s17+$0x2780] =	vst v9  }
0x36: {  	[tilespmem:s17+$0x2790] =	vst v7;
	v7 =	vld [tilespmem:s17+$0x60]  }
0x37: {  	[tilespmem:s17+$0x27A0] =	vst v8  }
0x38: {  	[tilespmem:s17+$0x27B0] =	vst v10  }
0x39: {  	[tilespmem:s17+$0x27C0] =	vst v11  }
0x3a: {  	[tilespmem:s17+$0x27D0] =	vst v63  }
0x3b: {  	[tilespmem:s17+$0x27E0] =	vst v7  }
0x3c: {  	[tilespmem:$0x4E90] =	vst v0  }
0x3d: {  	[tilespmem:$0x4EA0] =	vst v1  }
0x3e: {  	v7 =	vld [tilespmem:$0x2700];
	[tilespmem:$0x4EB0] =	vst v2  }
0x3f: {  	[tilespmem:$0x4EC0] =	vst v3  }
0x40: {  	[tilespmem:$0x4ED0] =	vst v4  }
0x41: {  	[tilespmem:$0x4EE0] =	vst v5  }
0x42: {  	[tilespmem:$0x4EF0] =	vst v6  }
0x43: {  	[tilespmem:$0x4E80] =	vst v7  }
0x44: {  	s16 =	simm.s32 $0x0;
	[bflag:$0x0] =	sbarrier.arrive $0xFFFF  }
.LBB2_4:
0x45: {  	p0 =	sne.s32 s16, $0x9C00  }
.Ltmp1:
0x46: {  	_ = 	snop;
	(pc) =	sbr.rel @p0 .LBB2_4-.Ltmp1, $4  }
0x47: {  	_ = 	snop  }
0x48: {  	s17 =	sshra.s32 s16, $0x2  }
0x49: {  	s16 =	sadd.s32 $0x200, s16;
	s17 =	sadd.s32 $0x2780, s17  }
0x4a: {  	[spmem:s2] =	stream.indirect.scatter.add.f32 [tilespmem:s11], [sflag:$0x1], $0x1, s17, s13, $0xb8;
	[tilespmem:$0x5500] =	vst v63  }
0x4b: {  	_ =	swait.ge [sflag:s14], $0x80  }
0x4c: {  	s16 =	simm.s32 $0x4E;
	[sflag:s14] =	ssyncset.done $0x0  }
.LBB2_6:
0x4d: {  	p0 =	sne.s32 s16, $0x1;
	s16 =	sadd.s32 $0xFFFFFFFF, s16;
	[sflag:s14] =	ssyncadd.s32 $0xFFFFFF80  }
.Ltmp2:
0x4e: {  	(pc) =	sbr.rel @p0 .LBB2_6-.Ltmp2, $3  }
0x4f: {  	_ =	sdelay $0x1  }
0x50: {  	_ =	swait.ge [sflag:s14], $0x80  }
0x51: {  	[sflag:s14] =	ssyncset.done $0x0  }
0x52: {  	[sflag:s14] =	ssyncadd.s32 $0xFFFFFF80  }
0x53: {  	[bflag:$0x0] =	sbarrier.arrive $0xFFFF  }
0x54: {  	[tilespmem:s12], [sflag:$0x2] =	stream.linear.gather [spmem:s7], $0x280, $0x38;
	[tilespmem:$0x5500] =	vst v63  }
0x55: {  	s15 =	sadd.s32 $0x1, s15;
	_ =	swait.ge [sflag:s10], $0x280  }
0x56: {  	p0 =	sne.s32 s15, s9;
	[sflag:s10] =	ssyncset.done $0x0  }
.Ltmp3:
0x57: {  	[sflag:s10] =	ssyncadd.s32 $0xFFFFFD80;
	(pc) =	sbr.rel @p0 .LBB2_1-.Ltmp3, $4  }
0x58: {  	[hbm4b:s8+s3] =	stream.linear.scatter [tilespmem:s12], [sflag:$0x2], $0x280, $0x38;
	[tilespmem:$0x5500] =	vst v63  }
0x59: {  	_ =	swait.ge [sflag:s10], $0x280  }
0x5a: {  	[sflag:s10] =	ssyncset.done $0x0  }
0x5b: {  	[sflag:s10] =	ssyncadd.s32 $0xFFFFFD80  }
0x5c: {  	_ =	sfence.sel $0x180000  }
0x5d: {  	[bflag:$0x0] =	sbarrier.arrive $0xFFFF  }
0x5e: {  	p0 =	sne.s32 s1, $0x0;
	_ =	strace $0x90000047  }
0x5f: {  	s0 =	sadd.s32 @!p0 $0x100000, s0;
	[bflag:$0x2] =	sbarrier.arrive $0xFFFF  }
0x60: {  	[sflag:s0] =	ssyncadd.tile.s32 @!p0 $0x1;
	_ =	shalt  }
.Lfunc_end2:
_tile_overlayer_lowered:
.L_overlay_start_2:
0x61: {  	(tag) =	ssettag $0x2  }
0x62: {  	s0 =	rddreg [dreg:$0x0];
	s2 =	stileid.u32  }
0x63: {  	s1 =	rddreg [dreg:$0x1];
	p0 =	sne.s32 s2, $0x0  }
0x64: {  	s3 =	rddreg [dreg:$0x2];
	[bflag:$0x3] =	sbarrier.arrive $0xFFFF;
	s2 =	simm.s32 @!p0 $0x1C02  }
0x65: {  	[timem:s3], [sflag:s2] =	dma.local @!p0 [hbm:s0], s1  }
0x66: {  	s0 =	simm.s32 @!p0 $0x2  }
0x67: {  	_ =	swait.ge @!p0 [sflag:s0], s1  }
0x68: {  	s1 =	ssub.s32 @!p0 $0x0, s1;
	[sflag:s0] =	ssyncset.done @!p0 $0x0  }
0x69: {  	[sflag:s0] =	ssyncadd.s32 @!p0 s1  }
0x6a: {  	[bflag:$0x3] =	sbarrier.arrive $0xFFFF  }
0x6b: {  	_ =	shalt  }

</sc_bundles>
